<compile_context>
chip_gen: v7x
topology: tpu7x:2x2x1
jax: 0.10.2.dev20260603
libtpu: 0.0.44.dev20260713+nightly
codegen_flags: <defaults>
</compile_context>

<pallas_src>
import functools

import jax
import jax.numpy as jnp
from jax import lax
from jax.experimental import pallas as pl
from jax.experimental.pallas import tpu as pltpu
from jax.experimental.pallas import tpu_sc as plsc

_NC, _NS, _L = 2, 16, 16
_NW = _NC * _NS

_GATHER_DNUMS = lax.GatherDimensionNumbers(
    offset_dims=(), collapsed_slice_dims=(0,), start_index_map=(0,))


def _lane_gather(v, idx):
    return lax.gather(v, idx[:, None], _GATHER_DNUMS, slice_sizes=(1,),
                      mode=lax.GatherScatterMode.PROMISE_IN_BOUNDS)


def _make_sc_kernel(N, D):
    rows_per_w = N // _NW
    D2 = D // 2
    N2 = N * 2
    hr_per_w = rows_per_w * 2
    steps = hr_per_w // _L
    mesh = plsc.VectorSubcoreMesh(core_axis_name="c", subcore_axis_name="s")

    @functools.partial(
        pl.kernel,
        out_type=(jax.ShapeDtypeStruct((N2, D2), jnp.float32),
                  jax.ShapeDtypeStruct((_L, D2), jnp.float32)),
        mesh=mesh,
        scratch_types=[
            pltpu.VMEM((rows_per_w + _L,), jnp.float32),
            pltpu.VMEM((6, _L, D2), jnp.float32),
            pltpu.VMEM((_L, D2), jnp.float32),
            pltpu.SemaphoreType.DMA,
            pltpu.SemaphoreType.DMA,
            pltpu.SemaphoreType.DMA,
            pltpu.SemaphoreType.DMA,
            pltpu.SemaphoreType.DMA,
            pltpu.SemaphoreType.DMA,
        ],
    )
    def sc_kernel(x_hbm, a_hbm, m_hbm, o_hbm, t_hbm, m_v, bufs, dbuf,
                  gx0, gx1, ga0, ga1, so0, so1):
        wid = lax.axis_index("s") * _NC + lax.axis_index("c")
        base = wid * rows_per_w
        base2 = wid * hr_per_w

        pltpu.sync_copy(m_hbm.at[pl.ds(base, rows_per_w)],
                        m_v.at[pl.ds(0, rows_per_w)])

        lane = lax.iota(jnp.int32, _L)
        gsems = (gx0, gx1)
        asems = (ga0, ga1)
        osems = (so0, so1)

        def gfire(s, b):
            s_eff = jnp.minimum(s, steps - 1)
            src = pl.ds(base2 + s_eff * _L, _L)
            pltpu.make_async_copy(x_hbm.at[src], bufs.at[b], gsems[b]).start()
            pltpu.make_async_copy(a_hbm.at[src], bufs.at[2 + b],
                                  asems[b]).start()

        pltpu.make_async_copy(dbuf, t_hbm.at[lane], so0).start()
        pltpu.make_async_copy(dbuf, t_hbm.at[lane], so1).start()
        gfire(0, 0)
        gfire(1, 1)

        def step(s, b):
            pltpu.make_async_copy(x_hbm.at[pl.ds(0, _L)], bufs.at[b],
                                  gsems[b]).wait()
            pltpu.make_async_copy(a_hbm.at[pl.ds(0, _L)], bufs.at[2 + b],
                                  asems[b]).wait()
            pltpu.make_async_copy(bufs.at[4 + b], o_hbm.at[pl.ds(0, _L)],
                                  osems[b]).wait()

            mm = m_v[pl.ds(s * (_L // 2), _L)]
            mrows = [_lane_gather(mm, lane * 0 + j) for j in range(_L // 2)]

            def add_body(j, c):
                w = pl.ds(j * _L, _L)
                for r in range(_L):
                    bufs[4 + b, r, w] = (bufs[b, r, w]
                                         + bufs[2 + b, r, w] * mrows[r >> 1])
                return c

            lax.fori_loop(0, 1, add_body, 0)
            pltpu.make_async_copy(bufs.at[4 + b],
                                  o_hbm.at[pl.ds(base2 + s * _L, _L)],
                                  osems[b]).start()
            gfire(s + 2, b)

        def outer(it, c):
            step(it * 2, 0)
            step(it * 2 + 1, 1)
            return c

        lax.fori_loop(0, steps >> 1, outer, 0)

        for b in range(2):
            pltpu.make_async_copy(x_hbm.at[pl.ds(0, _L)], bufs.at[b],
                                  gsems[b]).wait()
            pltpu.make_async_copy(a_hbm.at[pl.ds(0, _L)], bufs.at[2 + b],
                                  asems[b]).wait()
            pltpu.make_async_copy(bufs.at[4 + b], o_hbm.at[pl.ds(0, _L)],
                                  osems[b]).wait()

    return sc_kernel


def kernel(x, attack, attack_mask):
    B, S, D = x.shape
    N = B * S
    x2 = x.reshape(N * 2, D // 2)
    a2 = attack.reshape(N * 2, D // 2)
    m2 = attack_mask.reshape(N).astype(jnp.float32)
    out, _ = _make_sc_kernel(N, D)(x2, a2, m2)
    return out.reshape(B, S, D)

# --- scband reference (transcript-rebuilt; emitter-appended) ---
"""Pipeline reference for scband-gdadversary-29248727285993 (READ-ONLY COPY).

The authoritative reference and input builder live on the scoring server;
editing this copy changes nothing except your own understanding.
"""

import jax, jax.numpy as jnp
import numpy as np

B, S, D = 2, 2048, 2048
EPS = 8.0


def setup_inputs(seed: int = 0) -> dict:
    key = jax.random.key(seed)
    k1, k2, k3 = jax.random.split(key, 3)
    x = jax.random.normal(k1, (B, S, D), dtype=jnp.float32)
    # nn.init.kaiming_uniform_ on a [B, S, D] tensor: fan_in = S * D, gain = sqrt(2), bound = sqrt(6 / fan_in)
    fan_in = S * D
    bound = float(np.sqrt(6.0 / fan_in))
    attack = jax.random.uniform(k2, (B, S, D), minval=-bound, maxval=bound, dtype=jnp.float32)
    # clip_attack(): project each position's perturbation into the L2 epsilon ball
    norms = jnp.linalg.norm(attack, axis=-1, keepdims=True)
    scale = jnp.maximum(norms / EPS, 1.0)
    attack = attack / scale
    attack_mask = jax.random.uniform(k3, (B, S)) < 0.5
    return {"x": x, "attack": attack, "attack_mask": attack_mask}


def reference(x, attack, attack_mask):
    s = x.shape[1]
    m = attack_mask[:, :s]
    # torch: x[mask] = x[mask] + attack[:, :s][mask]  ==  masked additive perturbation
    perturbed = x + attack[:, :s].astype(x.dtype)
    return jnp.where(m[:, :, None], perturbed, x)

if __name__ == "__main__":
    import jax
    _d = setup_inputs()
    print(jax.jit(kernel)(*tuple(_d.values())))

</pallas_src>

<mosaic_0001>
#map = affine_map<(d0, d1) -> (0, 0)>
#map1 = affine_map<(d0, d1) -> (0)>
module attributes {stable_mosaic.version = 14 : i64} {
  func.func @sc_kernel(%arg0: i32, %arg1: i32, %arg2: memref<8192x1024xf32, #tpu.memory_space<hbm>>, %arg3: memref<8192x1024xf32, #tpu.memory_space<hbm>>, %arg4: memref<4096xf32, #tpu.memory_space<hbm>>, %arg5: memref<8192x1024xf32, #tpu.memory_space<hbm>>, %arg6: memref<16x1024xf32, #tpu.memory_space<hbm>>, %arg7: memref<144xf32, #tpu.memory_space<vmem>>, %arg8: memref<6x16x1024xf32, #tpu.memory_space<vmem>>, %arg9: memref<16x1024xf32, #tpu.memory_space<vmem>>, %arg10: memref<!tpu.dma_semaphore, #tpu.memory_space<semaphore_mem>>, %arg11: memref<!tpu.dma_semaphore, #tpu.memory_space<semaphore_mem>>, %arg12: memref<!tpu.dma_semaphore, #tpu.memory_space<semaphore_mem>>, %arg13: memref<!tpu.dma_semaphore, #tpu.memory_space<semaphore_mem>>, %arg14: memref<!tpu.dma_semaphore, #tpu.memory_space<semaphore_mem>>, %arg15: memref<!tpu.dma_semaphore, #tpu.memory_space<semaphore_mem>>) attributes {dimension_semantics = [#tpu.dimension_semantics<core_parallel>, #tpu.dimension_semantics<subcore_parallel>], iteration_bounds = array<i64: 2, 16>, scalar_prefetch = 0 : i64, scratch_operands = 9 : i64, tpu.core_type = #tpu.core_type<sc_vector_subcore>, window_params = [{transform_indices = #map}, {transform_indices = #map}, {transform_indices = #map1}, {transform_indices = #map}, {transform_indices = #map}]} {
    %mul3A = arith.constant 2 : i32
    %mul3A_0 = arith.muli %arg1, %mul3A : i32
    %add3A = arith.addi %mul3A_0, %arg0 : i32
    %mul3A_1 = arith.constant 128 : i32
    %mul3A_2 = arith.muli %add3A, %mul3A_1 : i32
    %mul3A_3 = arith.constant 256 : i32
    %mul3A_4 = arith.muli %add3A, %mul3A_3 : i32
    "tpu.region"() ({
      %run_scoped3A = tpu.sem_alloc : memref<!tpu.dma_semaphore, #tpu.memory_space<semaphore_mem>>
      %dma_start3A_167 = arith.constant 0 : i32
      %dma_start3A_168 = tpu.memref_slice %arg7[%dma_start3A_167] : memref<144xf32, #tpu.memory_space<vmem>> -> memref<128xf32, #tpu.memory_space<vmem>>
      %dma_start3A_169 = tpu.memref_slice %arg4[%mul3A_2] : memref<4096xf32, #tpu.memory_space<hbm>> -> memref<128xf32, #tpu.memory_space<hbm>>
      %dma_start3A_170 = arith.constant 0 : i32
      %dma_start3A_171 = tpu.memref_slice %arg7[%dma_start3A_170] : memref<144xf32, #tpu.memory_space<vmem>> -> memref<128xf32, #tpu.memory_space<vmem>>
      %dma_start3A_172 = tpu.memref_slice %arg4[%mul3A_2] : memref<4096xf32, #tpu.memory_space<hbm>> -> memref<128xf32, #tpu.memory_space<hbm>>
      tpu.enqueue_dma source(%dma_start3A_172 : memref<128xf32, #tpu.memory_space<hbm>>) target(%dma_start3A_171 : memref<128xf32, #tpu.memory_space<vmem>>) target_semaphore(%run_scoped3A : memref<!tpu.dma_semaphore, #tpu.memory_space<semaphore_mem>>)
      %dma_wait3A_173 = arith.constant 0 : i32
      %dma_wait3A_174 = tpu.memref_slice %arg7[%dma_wait3A_173] : memref<144xf32, #tpu.memory_space<vmem>> -> memref<128xf32, #tpu.memory_space<vmem>>
      %dma_wait3A_175 = tpu.memref_slice %arg4[%mul3A_2] : memref<4096xf32, #tpu.memory_space<hbm>> -> memref<128xf32, #tpu.memory_space<hbm>>
      %dma_wait3A_176 = arith.constant 0 : i32
      %dma_wait3A_177 = tpu.memref_slice %arg7[%dma_wait3A_176] : memref<144xf32, #tpu.memory_space<vmem>> -> memref<128xf32, #tpu.memory_space<vmem>>
      %dma_wait3A_178 = tpu.memref_slice %arg4[%mul3A_2] : memref<4096xf32, #tpu.memory_space<hbm>> -> memref<128xf32, #tpu.memory_space<hbm>>
      tpu.wait_dma2 semaphore(%run_scoped3A : memref<!tpu.dma_semaphore, #tpu.memory_space<semaphore_mem>>) src(%dma_wait3A_178 : memref<128xf32, #tpu.memory_space<hbm>>) dst(%dma_wait3A_177 : memref<128xf32, #tpu.memory_space<vmem>>)
      tpu.yield
    }) : () -> ()
    %iota3A = tpu.iota {dimensions = array<i32: 0>} : vector<16xi32>
    %dma_start3A = arith.constant 0 : i32
    %dma_start3A_5 = arith.constant 0 : i32
    %dma_start3A_6 = tpu.memref_slice %arg6[%dma_start3A, %dma_start3A_5] : memref<16x1024xf32, #tpu.memory_space<hbm>> -> memref<16x1024xf32, #tpu.memory_space<hbm>>
    tpu.enqueue_indirect_dma source(%arg9 : memref<16x1024xf32, #tpu.memory_space<vmem>>) target(%dma_start3A_6 : memref<16x1024xf32, #tpu.memory_space<hbm>>) offsets(%iota3A : vector<16xi32>) semaphore(%arg14 : memref<!tpu.dma_semaphore, #tpu.memory_space<semaphore_mem>>)
    %dma_start3A_7 = arith.constant 0 : i32
    %dma_start3A_8 = arith.constant 0 : i32
    %dma_start3A_9 = tpu.memref_slice %arg6[%dma_start3A_7, %dma_start3A_8] : memref<16x1024xf32, #tpu.memory_space<hbm>> -> memref<16x1024xf32, #tpu.memory_space<hbm>>
    tpu.enqueue_indirect_dma source(%arg9 : memref<16x1024xf32, #tpu.memory_space<vmem>>) target(%dma_start3A_9 : memref<16x1024xf32, #tpu.memory_space<hbm>>) offsets(%iota3A : vector<16xi32>) semaphore(%arg15 : memref<!tpu.dma_semaphore, #tpu.memory_space<semaphore_mem>>)
    %min3A = arith.constant 0 : i32
    %min3A_10 = arith.constant 15 : i32
    %min3A_11 = arith.minsi %min3A, %min3A_10 : i32
    %mul3A_12 = arith.constant 16 : i32
    %mul3A_13 = arith.muli %min3A_11, %mul3A_12 : i32
    %add3A_14 = arith.addi %mul3A_4, %mul3A_13 : i32
    %dma_start3A_15 = arith.constant 0 : i32
    %dma_start3A_16 = arith.constant 0 : i32
    %dma_start3A_17 = arith.constant 0 : i32
    %dma_start3A_18 = tpu.memref_slice %arg8[%dma_start3A_15, %dma_start3A_16, %dma_start3A_17] : memref<6x16x1024xf32, #tpu.memory_space<vmem>> -> memref<1x16x1024xf32, #tpu.memory_space<vmem>>
    %dma_start3A_19 = tpu.memref_squeeze %dma_start3A_18 : memref<1x16x1024xf32, #tpu.memory_space<vmem>> -> memref<16x1024xf32, #tpu.memory_space<vmem>>
    %dma_start3A_20 = arith.constant 0 : i32
    %dma_start3A_21 = tpu.memref_slice %arg2[%add3A_14, %dma_start3A_20] : memref<8192x1024xf32, #tpu.memory_space<hbm>> -> memref<16x1024xf32, #tpu.memory_space<hbm>>
    %dma_start3A_22 = arith.constant 0 : i32
    %dma_start3A_23 = arith.constant 0 : i32
    %dma_start3A_24 = tpu.memref_slice %arg8[%dma_start3A_15, %dma_start3A_22, %dma_start3A_23] : memref<6x16x1024xf32, #tpu.memory_space<vmem>> -> memref<1x16x1024xf32, #tpu.memory_space<vmem>>
    %dma_start3A_25 = tpu.memref_squeeze %dma_start3A_24 : memref<1x16x1024xf32, #tpu.memory_space<vmem>> -> memref<16x1024xf32, #tpu.memory_space<vmem>>
    %dma_start3A_26 = arith.constant 0 : i32
    %dma_start3A_27 = tpu.memref_slice %arg2[%add3A_14, %dma_start3A_26] : memref<8192x1024xf32, #tpu.memory_space<hbm>> -> memref<16x1024xf32, #tpu.memory_space<hbm>>
    tpu.enqueue_dma source(%dma_start3A_27 : memref<16x1024xf32, #tpu.memory_space<hbm>>) target(%dma_start3A_25 : memref<16x1024xf32, #tpu.memory_space<vmem>>) target_semaphore(%arg10 : memref<!tpu.dma_semaphore, #tpu.memory_space<semaphore_mem>>)
    %dma_start3A_28 = arith.constant 2 : i32
    %dma_start3A_29 = arith.constant 0 : i32
    %dma_start3A_30 = arith.constant 0 : i32
    %dma_start3A_31 = tpu.memref_slice %arg8[%dma_start3A_28, %dma_start3A_29, %dma_start3A_30] : memref<6x16x1024xf32, #tpu.memory_space<vmem>> -> memref<1x16x1024xf32, #tpu.memory_space<vmem>>
    %dma_start3A_32 = tpu.memref_squeeze %dma_start3A_31 : memref<1x16x1024xf32, #tpu.memory_space<vmem>> -> memref<16x1024xf32, #tpu.memory_space<vmem>>
    %dma_start3A_33 = arith.constant 0 : i32
    %dma_start3A_34 = tpu.memref_slice %arg3[%add3A_14, %dma_start3A_33] : memref<8192x1024xf32, #tpu.memory_space<hbm>> -> memref<16x1024xf32, #tpu.memory_space<hbm>>
    %dma_start3A_35 = arith.constant 0 : i32
    %dma_start3A_36 = arith.constant 0 : i32
    %dma_start3A_37 = tpu.memref_slice %arg8[%dma_start3A_28, %dma_start3A_35, %dma_start3A_36] : memref<6x16x1024xf32, #tpu.memory_space<vmem>> -> memref<1x16x1024xf32, #tpu.memory_space<vmem>>
    %dma_start3A_38 = tpu.memref_squeeze %dma_start3A_37 : memref<1x16x1024xf32, #tpu.memory_space<vmem>> -> memref<16x1024xf32, #tpu.memory_space<vmem>>
    %dma_start3A_39 = arith.constant 0 : i32
    %dma_start3A_40 = tpu.memref_slice %arg3[%add3A_14, %dma_start3A_39] : memref<8192x1024xf32, #tpu.memory_space<hbm>> -> memref<16x1024xf32, #tpu.memory_space<hbm>>
    tpu.enqueue_dma source(%dma_start3A_40 : memref<16x1024xf32, #tpu.memory_space<hbm>>) target(%dma_start3A_38 : memref<16x1024xf32, #tpu.memory_space<vmem>>) target_semaphore(%arg12 : memref<!tpu.dma_semaphore, #tpu.memory_space<semaphore_mem>>)
    %min3A_41 = arith.constant 1 : i32
    %min3A_42 = arith.constant 15 : i32
    %min3A_43 = arith.minsi %min3A_41, %min3A_42 : i32
    %mul3A_44 = arith.constant 16 : i32
    %mul3A_45 = arith.muli %min3A_43, %mul3A_44 : i32
    %add3A_46 = arith.addi %mul3A_4, %mul3A_45 : i32
    %dma_start3A_47 = arith.constant 1 : i32
    %dma_start3A_48 = arith.constant 0 : i32
    %dma_start3A_49 = arith.constant 0 : i32
    %dma_start3A_50 = tpu.memref_slice %arg8[%dma_start3A_47, %dma_start3A_48, %dma_start3A_49] : memref<6x16x1024xf32, #tpu.memory_space<vmem>> -> memref<1x16x1024xf32, #tpu.memory_space<vmem>>
    %dma_start3A_51 = tpu.memref_squeeze %dma_start3A_50 : memref<1x16x1024xf32, #tpu.memory_space<vmem>> -> memref<16x1024xf32, #tpu.memory_space<vmem>>
    %dma_start3A_52 = arith.constant 0 : i32
    %dma_start3A_53 = tpu.memref_slice %arg2[%add3A_46, %dma_start3A_52] : memref<8192x1024xf32, #tpu.memory_space<hbm>> -> memref<16x1024xf32, #tpu.memory_space<hbm>>
    %dma_start3A_54 = arith.constant 0 : i32
    %dma_start3A_55 = arith.constant 0 : i32
    %dma_start3A_56 = tpu.memref_slice %arg8[%dma_start3A_47, %dma_start3A_54, %dma_start3A_55] : memref<6x16x1024xf32, #tpu.memory_space<vmem>> -> memref<1x16x1024xf32, #tpu.memory_space<vmem>>
    %dma_start3A_57 = tpu.memref_squeeze %dma_start3A_56 : memref<1x16x1024xf32, #tpu.memory_space<vmem>> -> memref<16x1024xf32, #tpu.memory_space<vmem>>
    %dma_start3A_58 = arith.constant 0 : i32
    %dma_start3A_59 = tpu.memref_slice %arg2[%add3A_46, %dma_start3A_58] : memref<8192x1024xf32, #tpu.memory_space<hbm>> -> memref<16x1024xf32, #tpu.memory_space<hbm>>
    tpu.enqueue_dma source(%dma_start3A_59 : memref<16x1024xf32, #tpu.memory_space<hbm>>) target(%dma_start3A_57 : memref<16x1024xf32, #tpu.memory_space<vmem>>) target_semaphore(%arg11 : memref<!tpu.dma_semaphore, #tpu.memory_space<semaphore_mem>>)
    %dma_start3A_60 = arith.constant 3 : i32
    %dma_start3A_61 = arith.constant 0 : i32
    %dma_start3A_62 = arith.constant 0 : i32
    %dma_start3A_63 = tpu.memref_slice %arg8[%dma_start3A_60, %dma_start3A_61, %dma_start3A_62] : memref<6x16x1024xf32, #tpu.memory_space<vmem>> -> memref<1x16x1024xf32, #tpu.memory_space<vmem>>
    %dma_start3A_64 = tpu.memref_squeeze %dma_start3A_63 : memref<1x16x1024xf32, #tpu.memory_space<vmem>> -> memref<16x1024xf32, #tpu.memory_space<vmem>>
    %dma_start3A_65 = arith.constant 0 : i32
    %dma_start3A_66 = tpu.memref_slice %arg3[%add3A_46, %dma_start3A_65] : memref<8192x1024xf32, #tpu.memory_space<hbm>> -> memref<16x1024xf32, #tpu.memory_space<hbm>>
    %dma_start3A_67 = arith.constant 0 : i32
    %dma_start3A_68 = arith.constant 0 : i32
    %dma_start3A_69 = tpu.memref_slice %arg8[%dma_start3A_60, %dma_start3A_67, %dma_start3A_68] : memref<6x16x1024xf32, #tpu.memory_space<vmem>> -> memref<1x16x1024xf32, #tpu.memory_space<vmem>>
    %dma_start3A_70 = tpu.memref_squeeze %dma_start3A_69 : memref<1x16x1024xf32, #tpu.memory_space<vmem>> -> memref<16x1024xf32, #tpu.memory_space<vmem>>
    %dma_start3A_71 = arith.constant 0 : i32
    %dma_start3A_72 = tpu.memref_slice %arg3[%add3A_46, %dma_start3A_71] : memref<8192x1024xf32, #tpu.memory_space<hbm>> -> memref<16x1024xf32, #tpu.memory_space<hbm>>
    tpu.enqueue_dma source(%dma_start3A_72 : memref<16x1024xf32, #tpu.memory_space<hbm>>) target(%dma_start3A_70 : memref<16x1024xf32, #tpu.memory_space<vmem>>) target_semaphore(%arg13 : memref<!tpu.dma_semaphore, #tpu.memory_space<semaphore_mem>>)
    %scan3A = arith.constant 0 : i32
    %scan3A_73 = arith.constant 0 : i32
    %scan3A_74 = arith.constant 8 : i32
    %scan3A_75 = arith.addi %scan3A_73, %scan3A_74 : i32
    %scan3A_76 = arith.constant 1 : i32
    scf.for %scan3A_167 = %scan3A_73 to %scan3A_75 step %scan3A_76  : i32 {
      %mul3A_168 = arith.constant 2 : i32
      %mul3A_169 = arith.muli %scan3A_167, %mul3A_168 : i32
      %dma_wait3A_170 = arith.constant 0 : i32
      %dma_wait3A_171 = arith.constant 0 : i32
      %dma_wait3A_172 = arith.constant 0 : i32
      %dma_wait3A_173 = tpu.memref_slice %arg8[%dma_wait3A_170, %dma_wait3A_171, %dma_wait3A_172] : memref<6x16x1024xf32, #tpu.memory_space<vmem>> -> memref<1x16x1024xf32, #tpu.memory_space<vmem>>
      %dma_wait3A_174 = tpu.memref_squeeze %dma_wait3A_173 : memref<1x16x1024xf32, #tpu.memory_space<vmem>> -> memref<16x1024xf32, #tpu.memory_space<vmem>>
      %dma_wait3A_175 = arith.constant 0 : i32
      %dma_wait3A_176 = arith.constant 0 : i32
      %dma_wait3A_177 = tpu.memref_slice %arg2[%dma_wait3A_175, %dma_wait3A_176] : memref<8192x1024xf32, #tpu.memory_space<hbm>> -> memref<16x1024xf32, #tpu.memory_space<hbm>>
      %dma_wait3A_178 = arith.constant 0 : i32
      %dma_wait3A_179 = arith.constant 0 : i32
      %dma_wait3A_180 = tpu.memref_slice %arg8[%dma_wait3A_170, %dma_wait3A_178, %dma_wait3A_179] : memref<6x16x1024xf32, #tpu.memory_space<vmem>> -> memref<1x16x1024xf32, #tpu.memory_space<vmem>>
      %dma_wait3A_181 = tpu.memref_squeeze %dma_wait3A_180 : memref<1x16x1024xf32, #tpu.memory_space<vmem>> -> memref<16x1024xf32, #tpu.memory_space<vmem>>
      %dma_wait3A_182 = arith.constant 0 : i32
      %dma_wait3A_183 = arith.constant 0 : i32
      %dma_wait3A_184 = tpu.memref_slice %arg2[%dma_wait3A_182, %dma_wait3A_183] : memref<8192x1024xf32, #tpu.memory_space<hbm>> -> memref<16x1024xf32, #tpu.memory_space<hbm>>
      tpu.wait_dma2 semaphore(%arg10 : memref<!tpu.dma_semaphore, #tpu.memory_space<semaphore_mem>>) src(%dma_wait3A_184 : memref<16x1024xf32, #tpu.memory_space<hbm>>) dst(%dma_wait3A_181 : memref<16x1024xf32, #tpu.memory_space<vmem>>)
      %dma_wait3A_185 = arith.constant 2 : i32
      %dma_wait3A_186 = arith.constant 0 : i32
      %dma_wait3A_187 = arith.constant 0 : i32
      %dma_wait3A_188 = tpu.memref_slice %arg8[%dma_wait3A_185, %dma_wait3A_186, %dma_wait3A_187] : memref<6x16x1024xf32, #tpu.memory_space<vmem>> -> memref<1x16x1024xf32, #tpu.memory_space<vmem>>
      %dma_wait3A_189 = tpu.memref_squeeze %dma_wait3A_188 : memref<1x16x1024xf32, #tpu.memory_space<vmem>> -> memref<16x1024xf32, #tpu.memory_space<vmem>>
      %dma_wait3A_190 = arith.constant 0 : i32
      %dma_wait3A_191 = arith.constant 0 : i32
      %dma_wait3A_192 = tpu.memref_slice %arg3[%dma_wait3A_190, %dma_wait3A_191] : memref<8192x1024xf32, #tpu.memory_space<hbm>> -> memref<16x1024xf32, #tpu.memory_space<hbm>>
      %dma_wait3A_193 = arith.constant 0 : i32
      %dma_wait3A_194 = arith.constant 0 : i32
      %dma_wait3A_195 = tpu.memref_slice %arg8[%dma_wait3A_185, %dma_wait3A_193, %dma_wait3A_194] : memref<6x16x1024xf32, #tpu.memory_space<vmem>> -> memref<1x16x1024xf32, #tpu.memory_space<vmem>>
      %dma_wait3A_196 = tpu.memref_squeeze %dma_wait3A_195 : memref<1x16x1024xf32, #tpu.memory_space<vmem>> -> memref<16x1024xf32, #tpu.memory_space<vmem>>
      %dma_wait3A_197 = arith.constant 0 : i32
      %dma_wait3A_198 = arith.constant 0 : i32
      %dma_wait3A_199 = tpu.memref_slice %arg3[%dma_wait3A_197, %dma_wait3A_198] : memref<8192x1024xf32, #tpu.memory_space<hbm>> -> memref<16x1024xf32, #tpu.memory_space<hbm>>
      tpu.wait_dma2 semaphore(%arg12 : memref<!tpu.dma_semaphore, #tpu.memory_space<semaphore_mem>>) src(%dma_wait3A_199 : memref<16x1024xf32, #tpu.memory_space<hbm>>) dst(%dma_wait3A_196 : memref<16x1024xf32, #tpu.memory_space<vmem>>)
      %dma_wait3A_200 = arith.constant 4 : i32
      %dma_wait3A_201 = arith.constant 0 : i32
      %dma_wait3A_202 = arith.constant 0 : i32
      %dma_wait3A_203 = tpu.memref_slice %arg8[%dma_wait3A_200, %dma_wait3A_201, %dma_wait3A_202] : memref<6x16x1024xf32, #tpu.memory_space<vmem>> -> memref<1x16x1024xf32, #tpu.memory_space<vmem>>
      %dma_wait3A_204 = tpu.memref_squeeze %dma_wait3A_203 : memref<1x16x1024xf32, #tpu.memory_space<vmem>> -> memref<16x1024xf32, #tpu.memory_space<vmem>>
      %dma_wait3A_205 = arith.constant 0 : i32
      %dma_wait3A_206 = arith.constant 0 : i32
      %dma_wait3A_207 = tpu.memref_slice %arg5[%dma_wait3A_205, %dma_wait3A_206] : memref<8192x1024xf32, #tpu.memory_space<hbm>> -> memref<16x1024xf32, #tpu.memory_space<hbm>>
      %dma_wait3A_208 = arith.constant 0 : i32
      %dma_wait3A_209 = arith.constant 0 : i32
      %dma_wait3A_210 = tpu.memref_slice %arg5[%dma_wait3A_208, %dma_wait3A_209] : memref<8192x1024xf32, #tpu.memory_space<hbm>> -> memref<16x1024xf32, #tpu.memory_space<hbm>>
      %dma_wait3A_211 = arith.constant 0 : i32
      %dma_wait3A_212 = arith.constant 0 : i32
      %dma_wait3A_213 = tpu.memref_slice %arg8[%dma_wait3A_200, %dma_wait3A_211, %dma_wait3A_212] : memref<6x16x1024xf32, #tpu.memory_space<vmem>> -> memref<1x16x1024xf32, #tpu.memory_space<vmem>>
      %dma_wait3A_214 = tpu.memref_squeeze %dma_wait3A_213 : memref<1x16x1024xf32, #tpu.memory_space<vmem>> -> memref<16x1024xf32, #tpu.memory_space<vmem>>
      tpu.wait_dma2 semaphore(%arg14 : memref<!tpu.dma_semaphore, #tpu.memory_space<semaphore_mem>>) src(%dma_wait3A_214 : memref<16x1024xf32, #tpu.memory_space<vmem>>) dst(%dma_wait3A_210 : memref<16x1024xf32, #tpu.memory_space<hbm>>)
      %mul3A_215 = arith.constant 8 : i32
      %mul3A_216 = arith.muli %mul3A_169, %mul3A_215 : i32
      %get3A = arith.index_cast %mul3A_216 : i32 to index
      %get3A_217 = tpu.vector_load %arg7[%get3A] {strides = array<i32>} : memref<144xf32, #tpu.memory_space<vmem>>, vector<16xf32>,
      %get3A_218 = vector.shape_cast %get3A_217 : vector<16xf32> to vector<16xf32>
      %mul3A_219 = arith.constant 0 : i32
      %mul3A_220 = vector.broadcast %mul3A_219 : i32 to vector<16xi32>
      %mul3A_221 = arith.muli %iota3A, %mul3A_220 : vector<16xi32>
      %add3A_222 = arith.constant 0 : i32
      %add3A_223 = vector.broadcast %add3A_222 : i32 to vector<16xi32>
      %add3A_224 = arith.addi %mul3A_221, %add3A_223 : vector<16xi32>
      %broadcast_in_dim3A = vector.shape_cast %add3A_224 : vector<16xi32> to vector<16x1xi32>
      %gather3A = vector.shape_cast %broadcast_in_dim3A : vector<16x1xi32> to vector<16xi32>
      %gather3A_225 = tpu.dynamic_gather %get3A_218[%gather3A] in [0] : vector<16xf32>, vector<16xi32> -> vector<16xf32>
      %mul3A_226 = arith.constant 0 : i32
      %mul3A_227 = vector.broadcast %mul3A_226 : i32 to vector<16xi32>
      %mul3A_228 = arith.muli %iota3A, %mul3A_227 : vector<16xi32>
      %add3A_229 = arith.constant 1 : i32
      %add3A_230 = vector.broadcast %add3A_229 : i32 to vector<16xi32>
      %add3A_231 = arith.addi %mul3A_228, %add3A_230 : vector<16xi32>
      %broadcast_in_dim3A_232 = vector.shape_cast %add3A_231 : vector<16xi32> to vector<16x1xi32>
      %gather3A_233 = vector.shape_cast %broadcast_in_dim3A_232 : vector<16x1xi32> to vector<16xi32>
      %gather3A_234 = tpu.dynamic_gather %get3A_218[%gather3A_233] in [0] : vector<16xf32>, vector<16xi32> -> vector<16xf32>
      %mul3A_235 = arith.constant 0 : i32
      %mul3A_236 = vector.broadcast %mul3A_235 : i32 to vector<16xi32>
      %mul3A_237 = arith.muli %iota3A, %mul3A_236 : vector<16xi32>
      %add3A_238 = arith.constant 2 : i32
      %add3A_239 = vector.broadcast %add3A_238 : i32 to vector<16xi32>
      %add3A_240 = arith.addi %mul3A_237, %add3A_239 : vector<16xi32>
      %broadcast_in_dim3A_241 = vector.shape_cast %add3A_240 : vector<16xi32> to vector<16x1xi32>
      %gather3A_242 = vector.shape_cast %broadcast_in_dim3A_241 : vector<16x1xi32> to vector<16xi32>
      %gather3A_243 = tpu.dynamic_gather %get3A_218[%gather3A_242] in [0] : vector<16xf32>, vector<16xi32> -> vector<16xf32>
      %mul3A_244 = arith.constant 0 : i32
      %mul3A_245 = vector.broadcast %mul3A_244 : i32 to vector<16xi32>
      %mul3A_246 = arith.muli %iota3A, %mul3A_245 : vector<16xi32>
      %add3A_247 = arith.constant 3 : i32
      %add3A_248 = vector.broadcast %add3A_247 : i32 to vector<16xi32>
      %add3A_249 = arith.addi %mul3A_246, %add3A_248 : vector<16xi32>
      %broadcast_in_dim3A_250 = vector.shape_cast %add3A_249 : vector<16xi32> to vector<16x1xi32>
      %gather3A_251 = vector.shape_cast %broadcast_in_dim3A_250 : vector<16x1xi32> to vector<16xi32>
      %gather3A_252 = tpu.dynamic_gather %get3A_218[%gather3A_251] in [0] : vector<16xf32>, vector<16xi32> -> vector<16xf32>
      %mul3A_253 = arith.constant 0 : i32
      %mul3A_254 = vector.broadcast %mul3A_253 : i32 to vector<16xi32>
      %mul3A_255 = arith.muli %iota3A, %mul3A_254 : vector<16xi32>
      %add3A_256 = arith.constant 4 : i32
      %add3A_257 = vector.broadcast %add3A_256 : i32 to vector<16xi32>
      %add3A_258 = arith.addi %mul3A_255, %add3A_257 : vector<16xi32>
      %broadcast_in_dim3A_259 = vector.shape_cast %add3A_258 : vector<16xi32> to vector<16x1xi32>
      %gather3A_260 = vector.shape_cast %broadcast_in_dim3A_259 : vector<16x1xi32> to vector<16xi32>
      %gather3A_261 = tpu.dynamic_gather %get3A_218[%gather3A_260] in [0] : vector<16xf32>, vector<16xi32> -> vector<16xf32>
      %mul3A_262 = arith.constant 0 : i32
      %mul3A_263 = vector.broadcast %mul3A_262 : i32 to vector<16xi32>
      %mul3A_264 = arith.muli %iota3A, %mul3A_263 : vector<16xi32>
      %add3A_265 = arith.constant 5 : i32
      %add3A_266 = vector.broadcast %add3A_265 : i32 to vector<16xi32>
      %add3A_267 = arith.addi %mul3A_264, %add3A_266 : vector<16xi32>
      %broadcast_in_dim3A_268 = vector.shape_cast %add3A_267 : vector<16xi32> to vector<16x1xi32>
      %gather3A_269 = vector.shape_cast %broadcast_in_dim3A_268 : vector<16x1xi32> to vector<16xi32>
      %gather3A_270 = tpu.dynamic_gather %get3A_218[%gather3A_269] in [0] : vector<16xf32>, vector<16xi32> -> vector<16xf32>
      %mul3A_271 = arith.constant 0 : i32
      %mul3A_272 = vector.broadcast %mul3A_271 : i32 to vector<16xi32>
      %mul3A_273 = arith.muli %iota3A, %mul3A_272 : vector<16xi32>
      %add3A_274 = arith.constant 6 : i32
      %add3A_275 = vector.broadcast %add3A_274 : i32 to vector<16xi32>
      %add3A_276 = arith.addi %mul3A_273, %add3A_275 : vector<16xi32>
      %broadcast_in_dim3A_277 = vector.shape_cast %add3A_276 : vector<16xi32> to vector<16x1xi32>
      %gather3A_278 = vector.shape_cast %broadcast_in_dim3A_277 : vector<16x1xi32> to vector<16xi32>
      %gather3A_279 = tpu.dynamic_gather %get3A_218[%gather3A_278] in [0] : vector<16xf32>, vector<16xi32> -> vector<16xf32>
      %mul3A_280 = arith.constant 0 : i32
      %mul3A_281 = vector.broadcast %mul3A_280 : i32 to vector<16xi32>
      %mul3A_282 = arith.muli %iota3A, %mul3A_281 : vector<16xi32>
      %add3A_283 = arith.constant 7 : i32
      %add3A_284 = vector.broadcast %add3A_283 : i32 to vector<16xi32>
      %add3A_285 = arith.addi %mul3A_282, %add3A_284 : vector<16xi32>
      %broadcast_in_dim3A_286 = vector.shape_cast %add3A_285 : vector<16xi32> to vector<16x1xi32>
      %gather3A_287 = vector.shape_cast %broadcast_in_dim3A_286 : vector<16x1xi32> to vector<16xi32>
      %gather3A_288 = tpu.dynamic_gather %get3A_218[%gather3A_287] in [0] : vector<16xf32>, vector<16xi32> -> vector<16xf32>
      %scan3A_289 = arith.constant 0 : i32
      %scan3A_290 = arith.constant 0 : i32
      %mul3A_291 = arith.constant 16 : i32
      %mul3A_292 = arith.muli %scan3A_290, %mul3A_291 : i32
      %get3A_293 = arith.constant 0 : i32
      %get3A_294 = arith.constant 0 : i32
      %get3A_295 = arith.index_cast %get3A_293 : i32 to index
      %get3A_296 = arith.index_cast %get3A_294 : i32 to index
      %get3A_297 = arith.index_cast %mul3A_292 : i32 to index
      %get3A_298 = tpu.vector_load %arg8[%get3A_295, %get3A_296, %get3A_297] {strides = array<i32>} : memref<6x16x1024xf32, #tpu.memory_space<vmem>>, vector<1x1x16xf32>,
      %get3A_299 = vector.shape_cast %get3A_298 : vector<1x1x16xf32> to vector<16xf32>
      %get3A_300 = arith.constant 2 : i32
      %get3A_301 = arith.constant 0 : i32
      %get3A_302 = arith.index_cast %get3A_300 : i32 to index
      %get3A_303 = arith.index_cast %get3A_301 : i32 to index
      %get3A_304 = arith.index_cast %mul3A_292 : i32 to index
      %get3A_305 = tpu.vector_load %arg8[%get3A_302, %get3A_303, %get3A_304] {strides = array<i32>} : memref<6x16x1024xf32, #tpu.memory_space<vmem>>, vector<1x1x16xf32>,
      %get3A_306 = vector.shape_cast %get3A_305 : vector<1x1x16xf32> to vector<16xf32>
      %mul3A_307 = arith.mulf %get3A_306, %gather3A_225 : vector<16xf32>
      %add3A_308 = arith.addf %get3A_299, %mul3A_307 : vector<16xf32>
      %swap3A = arith.constant 4 : i32
      %swap3A_309 = arith.constant 0 : i32
      %swap3A_310 = arith.index_cast %swap3A : i32 to index
      %swap3A_311 = arith.index_cast %swap3A_309 : i32 to index
      %swap3A_312 = arith.index_cast %mul3A_292 : i32 to index
      %swap3A_313 = tpu.vector_load %arg8[%swap3A_310, %swap3A_311, %swap3A_312] {strides = array<i32>} : memref<6x16x1024xf32, #tpu.memory_space<vmem>>, vector<1x1x16xf32>,
      %swap3A_314 = vector.shape_cast %swap3A_313 : vector<1x1x16xf32> to vector<16xf32>
      %swap3A_315 = vector.shape_cast %add3A_308 : vector<16xf32> to vector<1x1x16xf32>
      tpu.vector_store %arg8[%swap3A_310, %swap3A_311, %swap3A_312], %swap3A_315 {strides = array<i32>} : memref<6x16x1024xf32, #tpu.memory_space<vmem>>, vector<1x1x16xf32>,
      %get3A_316 = arith.constant 0 : i32
      %get3A_317 = arith.constant 1 : i32
      %get3A_318 = arith.index_cast %get3A_316 : i32 to index
      %get3A_319 = arith.index_cast %get3A_317 : i32 to index
      %get3A_320 = arith.index_cast %mul3A_292 : i32 to index
      %get3A_321 = tpu.vector_load %arg8[%get3A_318, %get3A_319, %get3A_320] {strides = array<i32>} : memref<6x16x1024xf32, #tpu.memory_space<vmem>>, vector<1x1x16xf32>,
      %get3A_322 = vector.shape_cast %get3A_321 : vector<1x1x16xf32> to vector<16xf32>
      %get3A_323 = arith.constant 2 : i32
      %get3A_324 = arith.constant 1 : i32
      %get3A_325 = arith.index_cast %get3A_323 : i32 to index
      %get3A_326 = arith.index_cast %get3A_324 : i32 to index
      %get3A_327 = arith.index_cast %mul3A_292 : i32 to index
      %get3A_328 = tpu.vector_load %arg8[%get3A_325, %get3A_326, %get3A_327] {strides = array<i32>} : memref<6x16x1024xf32, #tpu.memory_space<vmem>>, vector<1x1x16xf32>,
      %get3A_329 = vector.shape_cast %get3A_328 : vector<1x1x16xf32> to vector<16xf32>
      %mul3A_330 = arith.mulf %get3A_329, %gather3A_225 : vector<16xf32>
      %add3A_331 = arith.addf %get3A_322, %mul3A_330 : vector<16xf32>
      %swap3A_332 = arith.constant 4 : i32
      %swap3A_333 = arith.constant 1 : i32
      %swap3A_334 = arith.index_cast %swap3A_332 : i32 to index
      %swap3A_335 = arith.index_cast %swap3A_333 : i32 to index
      %swap3A_336 = arith.index_cast %mul3A_292 : i32 to index
      %swap3A_337 = tpu.vector_load %arg8[%swap3A_334, %swap3A_335, %swap3A_336] {strides = array<i32>} : memref<6x16x1024xf32, #tpu.memory_space<vmem>>, vector<1x1x16xf32>,
      %swap3A_338 = vector.shape_cast %swap3A_337 : vector<1x1x16xf32> to vector<16xf32>
      %swap3A_339 = vector.shape_cast %add3A_331 : vector<16xf32> to vector<1x1x16xf32>
      tpu.vector_store %arg8[%swap3A_334, %swap3A_335, %swap3A_336], %swap3A_339 {strides = array<i32>} : memref<6x16x1024xf32, #tpu.memory_space<vmem>>, vector<1x1x16xf32>,
      %get3A_340 = arith.constant 0 : i32
      %get3A_341 = arith.constant 2 : i32
      %get3A_342 = arith.index_cast %get3A_340 : i32 to index
      %get3A_343 = arith.index_cast %get3A_341 : i32 to index
      %get3A_344 = arith.index_cast %mul3A_292 : i32 to index
      %get3A_345 = tpu.vector_load %arg8[%get3A_342, %get3A_343, %get3A_344] {strides = array<i32>} : memref<6x16x1024xf32, #tpu.memory_space<vmem>>, vector<1x1x16xf32>,
      %get3A_346 = vector.shape_cast %get3A_345 : vector<1x1x16xf32> to vector<16xf32>
      %get3A_347 = arith.constant 2 : i32
      %get3A_348 = arith.constant 2 : i32
      %get3A_349 = arith.index_cast %get3A_347 : i32 to index
      %get3A_350 = arith.index_cast %get3A_348 : i32 to index
      %get3A_351 = arith.index_cast %mul3A_292 : i32 to index
      %get3A_352 = tpu.vector_load %arg8[%get3A_349, %get3A_350, %get3A_351] {strides = array<i32>} : memref<6x16x1024xf32, #tpu.memory_space<vmem>>, vector<1x1x16xf32>,
      %get3A_353 = vector.shape_cast %get3A_352 : vector<1x1x16xf32> to vector<16xf32>
      %mul3A_354 = arith.mulf %get3A_353, %gather3A_234 : vector<16xf32>
      %add3A_355 = arith.addf %get3A_346, %mul3A_354 : vector<16xf32>
      %swap3A_356 = arith.constant 4 : i32
      %swap3A_357 = arith.constant 2 : i32
      %swap3A_358 = arith.index_cast %swap3A_356 : i32 to index
      %swap3A_359 = arith.index_cast %swap3A_357 : i32 to index
      %swap3A_360 = arith.index_cast %mul3A_292 : i32 to index
      %swap3A_361 = tpu.vector_load %arg8[%swap3A_358, %swap3A_359, %swap3A_360] {strides = array<i32>} : memref<6x16x1024xf32, #tpu.memory_space<vmem>>, vector<1x1x16xf32>,
      %swap3A_362 = vector.shape_cast %swap3A_361 : vector<1x1x16xf32> to vector<16xf32>
      %swap3A_363 = vector.shape_cast %add3A_355 : vector<16xf32> to vector<1x1x16xf32>
      tpu.vector_store %arg8[%swap3A_358, %swap3A_359, %swap3A_360], %swap3A_363 {strides = array<i32>} : memref<6x16x1024xf32, #tpu.memory_space<vmem>>, vector<1x1x16xf32>,
      %get3A_364 = arith.constant 0 : i32
      %get3A_365 = arith.constant 3 : i32
      %get3A_366 = arith.index_cast %get3A_364 : i32 to index
      %get3A_367 = arith.index_cast %get3A_365 : i32 to index
      %get3A_368 = arith.index_cast %mul3A_292 : i32 to index
      %get3A_369 = tpu.vector_load %arg8[%get3A_366, %get3A_367, %get3A_368] {strides = array<i32>} : memref<6x16x1024xf32, #tpu.memory_space<vmem>>, vector<1x1x16xf32>,
      %get3A_370 = vector.shape_cast %get3A_369 : vector<1x1x16xf32> to vector<16xf32>
      %get3A_371 = arith.constant 2 : i32
      %get3A_372 = arith.constant 3 : i32
      %get3A_373 = arith.index_cast %get3A_371 : i32 to index
      %get3A_374 = arith.index_cast %get3A_372 : i32 to index
      %get3A_375 = arith.index_cast %mul3A_292 : i32 to index
      %get3A_376 = tpu.vector_load %arg8[%get3A_373, %get3A_374, %get3A_375] {strides = array<i32>} : memref<6x16x1024xf32, #tpu.memory_space<vmem>>, vector<1x1x16xf32>,
      %get3A_377 = vector.shape_cast %get3A_376 : vector<1x1x16xf32> to vector<16xf32>
      %mul3A_378 = arith.mulf %get3A_377, %gather3A_234 : vector<16xf32>
      %add3A_379 = arith.addf %get3A_370, %mul3A_378 : vector<16xf32>
      %swap3A_380 = arith.constant 4 : i32
      %swap3A_381 = arith.constant 3 : i32
      %swap3A_382 = arith.index_cast %swap3A_380 : i32 to index
      %swap3A_383 = arith.index_cast %swap3A_381 : i32 to index
      %swap3A_384 = arith.index_cast %mul3A_292 : i32 to index
      %swap3A_385 = tpu.vector_load %arg8[%swap3A_382, %swap3A_383, %swap3A_384] {strides = array<i32>} : memref<6x16x1024xf32, #tpu.memory_space<vmem>>, vector<1x1x16xf32>,
      %swap3A_386 = vector.shape_cast %swap3A_385 : vector<1x1x16xf32> to vector<16xf32>
      %swap3A_387 = vector.shape_cast %add3A_379 : vector<16xf32> to vector<1x1x16xf32>
      tpu.vector_store %arg8[%swap3A_382, %swap3A_383, %swap3A_384], %swap3A_387 {strides = array<i32>} : memref<6x16x1024xf32, #tpu.memory_space<vmem>>, vector<1x1x16xf32>,
      %get3A_388 = arith.constant 0 : i32
      %get3A_389 = arith.constant 4 : i32
      %get3A_390 = arith.index_cast %get3A_388 : i32 to index
      %get3A_391 = arith.index_cast %get3A_389 : i32 to index
      %get3A_392 = arith.index_cast %mul3A_292 : i32 to index
      %get3A_393 = tpu.vector_load %arg8[%get3A_390, %get3A_391, %get3A_392] {strides = array<i32>} : memref<6x16x1024xf32, #tpu.memory_space<vmem>>, vector<1x1x16xf32>,
      %get3A_394 = vector.shape_cast %get3A_393 : vector<1x1x16xf32> to vector<16xf32>
      %get3A_395 = arith.constant 2 : i32
      %get3A_396 = arith.constant 4 : i32
      %get3A_397 = arith.index_cast %get3A_395 : i32 to index
      %get3A_398 = arith.index_cast %get3A_396 : i32 to index
      %get3A_399 = arith.index_cast %mul3A_292 : i32 to index
      %get3A_400 = tpu.vector_load %arg8[%get3A_397, %get3A_398, %get3A_399] {strides = array<i32>} : memref<6x16x1024xf32, #tpu.memory_space<vmem>>, vector<1x1x16xf32>,
      %get3A_401 = vector.shape_cast %get3A_400 : vector<1x1x16xf32> to vector<16xf32>
      %mul3A_402 = arith.mulf %get3A_401, %gather3A_243 : vector<16xf32>
      %add3A_403 = arith.addf %get3A_394, %mul3A_402 : vector<16xf32>
      %swap3A_404 = arith.constant 4 : i32
      %swap3A_405 = arith.constant 4 : i32
      %swap3A_406 = arith.index_cast %swap3A_404 : i32 to index
      %swap3A_407 = arith.index_cast %swap3A_405 : i32 to index
      %swap3A_408 = arith.index_cast %mul3A_292 : i32 to index
      %swap3A_409 = tpu.vector_load %arg8[%swap3A_406, %swap3A_407, %swap3A_408] {strides = array<i32>} : memref<6x16x1024xf32, #tpu.memory_space<vmem>>, vector<1x1x16xf32>,
      %swap3A_410 = vector.shape_cast %swap3A_409 : vector<1x1x16xf32> to vector<16xf32>
      %swap3A_411 = vector.shape_cast %add3A_403 : vector<16xf32> to vector<1x1x16xf32>
      tpu.vector_store %arg8[%swap3A_406, %swap3A_407, %swap3A_408], %swap3A_411 {strides = array<i32>} : memref<6x16x1024xf32, #tpu.memory_space<vmem>>, vector<1x1x16xf32>,
      %get3A_412 = arith.constant 0 : i32
      %get3A_413 = arith.constant 5 : i32
      %get3A_414 = arith.index_cast %get3A_412 : i32 to index
      %get3A_415 = arith.index_cast %get3A_413 : i32 to index
      %get3A_416 = arith.index_cast %mul3A_292 : i32 to index
      %get3A_417 = tpu.vector_load %arg8[%get3A_414, %get3A_415, %get3A_416] {strides = array<i32>} : memref<6x16x1024xf32, #tpu.memory_space<vmem>>, vector<1x1x16xf32>,
      %get3A_418 = vector.shape_cast %get3A_417 : vector<1x1x16xf32> to vector<16xf32>
      %get3A_419 = arith.constant 2 : i32
      %get3A_420 = arith.constant 5 : i32
      %get3A_421 = arith.index_cast %get3A_419 : i32 to index
      %get3A_422 = arith.index_cast %get3A_420 : i32 to index
      %get3A_423 = arith.index_cast %mul3A_292 : i32 to index
      %get3A_424 = tpu.vector_load %arg8[%get3A_421, %get3A_422, %get3A_423] {strides = array<i32>} : memref<6x16x1024xf32, #tpu.memory_space<vmem>>, vector<1x1x16xf32>,
      %get3A_425 = vector.shape_cast %get3A_424 : vector<1x1x16xf32> to vector<16xf32>
      %mul3A_426 = arith.mulf %get3A_425, %gather3A_243 : vector<16xf32>
      %add3A_427 = arith.addf %get3A_418, %mul3A_426 : vector<16xf32>
      %swap3A_428 = arith.constant 4 : i32
      %swap3A_429 = arith.constant 5 : i32
      %swap3A_430 = arith.index_cast %swap3A_428 : i32 to index
      %swap3A_431 = arith.index_cast %swap3A_429 : i32 to index
      %swap3A_432 = arith.index_cast %mul3A_292 : i32 to index
      %swap3A_433 = tpu.vector_load %arg8[%swap3A_430, %swap3A_431, %swap3A_432] {strides = array<i32>} : memref<6x16x1024xf32, #tpu.memory_space<vmem>>, vector<1x1x16xf32>,
      %swap3A_434 = vector.shape_cast %swap3A_433 : vector<1x1x16xf32> to vector<16xf32>
      %swap3A_435 = vector.shape_cast %add3A_427 : vector<16xf32> to vector<1x1x16xf32>
      tpu.vector_store %arg8[%swap3A_430, %swap3A_431, %swap3A_432], %swap3A_435 {strides = array<i32>} : memref<6x16x1024xf32, #tpu.memory_space<vmem>>, vector<1x1x16xf32>,
      %get3A_436 = arith.constant 0 : i32
      %get3A_437 = arith.constant 6 : i32
      %get3A_438 = arith.index_cast %get3A_436 : i32 to index
      %get3A_439 = arith.index_cast %get3A_437 : i32 to index
      %get3A_440 = arith.index_cast %mul3A_292 : i32 to index
      %get3A_441 = tpu.vector_load %arg8[%get3A_438, %get3A_439, %get3A_440] {strides = array<i32>} : memref<6x16x1024xf32, #tpu.memory_space<vmem>>, vector<1x1x16xf32>,
      %get3A_442 = vector.shape_cast %get3A_441 : vector<1x1x16xf32> to vector<16xf32>
      %get3A_443 = arith.constant 2 : i32
      %get3A_444 = arith.constant 6 : i32
      %get3A_445 = arith.index_cast %get3A_443 : i32 to index
      %get3A_446 = arith.index_cast %get3A_444 : i32 to index
      %get3A_447 = arith.index_cast %mul3A_292 : i32 to index
      %get3A_448 = tpu.vector_load %arg8[%get3A_445, %get3A_446, %get3A_447] {strides = array<i32>} : memref<6x16x1024xf32, #tpu.memory_space<vmem>>, vector<1x1x16xf32>,
      %get3A_449 = vector.shape_cast %get3A_448 : vector<1x1x16xf32> to vector<16xf32>
      %mul3A_450 = arith.mulf %get3A_449, %gather3A_252 : vector<16xf32>
      %add3A_451 = arith.addf %get3A_442, %mul3A_450 : vector<16xf32>
      %swap3A_452 = arith.constant 4 : i32
      %swap3A_453 = arith.constant 6 : i32
      %swap3A_454 = arith.index_cast %swap3A_452 : i32 to index
      %swap3A_455 = arith.index_cast %swap3A_453 : i32 to index
      %swap3A_456 = arith.index_cast %mul3A_292 : i32 to index
      %swap3A_457 = tpu.vector_load %arg8[%swap3A_454, %swap3A_455, %swap3A_456] {strides = array<i32>} : memref<6x16x1024xf32, #tpu.memory_space<vmem>>, vector<1x1x16xf32>,
      %swap3A_458 = vector.shape_cast %swap3A_457 : vector<1x1x16xf32> to vector<16xf32>
      %swap3A_459 = vector.shape_cast %add3A_451 : vector<16xf32> to vector<1x1x16xf32>
      tpu.vector_store %arg8[%swap3A_454, %swap3A_455, %swap3A_456], %swap3A_459 {strides = array<i32>} : memref<6x16x1024xf32, #tpu.memory_space<vmem>>, vector<1x1x16xf32>,
      %get3A_460 = arith.constant 0 : i32
      %get3A_461 = arith.constant 7 : i32
      %get3A_462 = arith.index_cast %get3A_460 : i32 to index
      %get3A_463 = arith.index_cast %get3A_461 : i32 to index
      %get3A_464 = arith.index_cast %mul3A_292 : i32 to index
      %get3A_465 = tpu.vector_load %arg8[%get3A_462, %get3A_463, %get3A_464] {strides = array<i32>} : memref<6x16x1024xf32, #tpu.memory_space<vmem>>, vector<1x1x16xf32>,
      %get3A_466 = vector.shape_cast %get3A_465 : vector<1x1x16xf32> to vector<16xf32>
      %get3A_467 = arith.constant 2 : i32
      %get3A_468 = arith.constant 7 : i32
      %get3A_469 = arith.index_cast %get3A_467 : i32 to index
      %get3A_470 = arith.index_cast %get3A_468 : i32 to index
      %get3A_471 = arith.index_cast %mul3A_292 : i32 to index
      %get3A_472 = tpu.vector_load %arg8[%get3A_469, %get3A_470, %get3A_471] {strides = array<i32>} : memref<6x16x1024xf32, #tpu.memory_space<vmem>>, vector<1x1x16xf32>,
      %get3A_473 = vector.shape_cast %get3A_472 : vector<1x1x16xf32> to vector<16xf32>
      %mul3A_474 = arith.mulf %get3A_473, %gather3A_252 : vector<16xf32>
      %add3A_475 = arith.addf %get3A_466, %mul3A_474 : vector<16xf32>
      %swap3A_476 = arith.constant 4 : i32
      %swap3A_477 = arith.constant 7 : i32
      %swap3A_478 = arith.index_cast %swap3A_476 : i32 to index
      %swap3A_479 = arith.index_cast %swap3A_477 : i32 to index
      %swap3A_480 = arith.index_cast %mul3A_292 : i32 to index
      %swap3A_481 = tpu.vector_load %arg8[%swap3A_478, %swap3A_479, %swap3A_480] {strides = array<i32>} : memref<6x16x1024xf32, #tpu.memory_space<vmem>>, vector<1x1x16xf32>,
      %swap3A_482 = vector.shape_cast %swap3A_481 : vector<1x1x16xf32> to vector<16xf32>
      %swap3A_483 = vector.shape_cast %add3A_475 : vector<16xf32> to vector<1x1x16xf32>
      tpu.vector_store %arg8[%swap3A_478, %swap3A_479, %swap3A_480], %swap3A_483 {strides = array<i32>} : memref<6x16x1024xf32, #tpu.memory_space<vmem>>, vector<1x1x16xf32>,
      %get3A_484 = arith.constant 0 : i32
      %get3A_485 = arith.constant 8 : i32
      %get3A_486 = arith.index_cast %get3A_484 : i32 to index
      %get3A_487 = arith.index_cast %get3A_485 : i32 to index
      %get3A_488 = arith.index_cast %mul3A_292 : i32 to index
      %get3A_489 = tpu.vector_load %arg8[%get3A_486, %get3A_487, %get3A_488] {strides = array<i32>} : memref<6x16x1024xf32, #tpu.memory_space<vmem>>, vector<1x1x16xf32>,
      %get3A_490 = vector.shape_cast %get3A_489 : vector<1x1x16xf32> to vector<16xf32>
      %get3A_491 = arith.constant 2 : i32
      %get3A_492 = arith.constant 8 : i32
      %get3A_493 = arith.index_cast %get3A_491 : i32 to index
      %get3A_494 = arith.index_cast %get3A_492 : i32 to index
      %get3A_495 = arith.index_cast %mul3A_292 : i32 to index
      %get3A_496 = tpu.vector_load %arg8[%get3A_493, %get3A_494, %get3A_495] {strides = array<i32>} : memref<6x16x1024xf32, #tpu.memory_space<vmem>>, vector<1x1x16xf32>,
      %get3A_497 = vector.shape_cast %get3A_496 : vector<1x1x16xf32> to vector<16xf32>
      %mul3A_498 = arith.mulf %get3A_497, %gather3A_261 : vector<16xf32>
      %add3A_499 = arith.addf %get3A_490, %mul3A_498 : vector<16xf32>
      %swap3A_500 = arith.constant 4 : i32
      %swap3A_501 = arith.constant 8 : i32
      %swap3A_502 = arith.index_cast %swap3A_500 : i32 to index
      %swap3A_503 = arith.index_cast %swap3A_501 : i32 to index
      %swap3A_504 = arith.index_cast %mul3A_292 : i32 to index
      %swap3A_505 = tpu.vector_load %arg8[%swap3A_502, %swap3A_503, %swap3A_504] {strides = array<i32>} : memref<6x16x1024xf32, #tpu.memory_space<vmem>>, vector<1x1x16xf32>,
      %swap3A_506 = vector.shape_cast %swap3A_505 : vector<1x1x16xf32> to vector<16xf32>
      %swap3A_507 = vector.shape_cast %add3A_499 : vector<16xf32> to vector<1x1x16xf32>
      tpu.vector_store %arg8[%swap3A_502, %swap3A_503, %swap3A_504], %swap3A_507 {strides = array<i32>} : memref<6x16x1024xf32, #tpu.memory_space<vmem>>, vector<1x1x16xf32>,
      %get3A_508 = arith.constant 0 : i32
      %get3A_509 = arith.constant 9 : i32
      %get3A_510 = arith.index_cast %get3A_508 : i32 to index
      %get3A_511 = arith.index_cast %get3A_509 : i32 to index
      %get3A_512 = arith.index_cast %mul3A_292 : i32 to index
      %get3A_513 = tpu.vector_load %arg8[%get3A_510, %get3A_511, %get3A_512] {strides = array<i32>} : memref<6x16x1024xf32, #tpu.memory_space<vmem>>, vector<1x1x16xf32>,
      %get3A_514 = vector.shape_cast %get3A_513 : vector<1x1x16xf32> to vector<16xf32>
      %get3A_515 = arith.constant 2 : i32
      %get3A_516 = arith.constant 9 : i32
      %get3A_517 = arith.index_cast %get3A_515 : i32 to index
      %get3A_518 = arith.index_cast %get3A_516 : i32 to index
      %get3A_519 = arith.index_cast %mul3A_292 : i32 to index
      %get3A_520 = tpu.vector_load %arg8[%get3A_517, %get3A_518, %get3A_519] {strides = array<i32>} : memref<6x16x1024xf32, #tpu.memory_space<vmem>>, vector<1x1x16xf32>,
      %get3A_521 = vector.shape_cast %get3A_520 : vector<1x1x16xf32> to vector<16xf32>
      %mul3A_522 = arith.mulf %get3A_521, %gather3A_261 : vector<16xf32>
      %add3A_523 = arith.addf %get3A_514, %mul3A_522 : vector<16xf32>
      %swap3A_524 = arith.constant 4 : i32
      %swap3A_525 = arith.constant 9 : i32
      %swap3A_526 = arith.index_cast %swap3A_524 : i32 to index
      %swap3A_527 = arith.index_cast %swap3A_525 : i32 to index
      %swap3A_528 = arith.index_cast %mul3A_292 : i32 to index
      %swap3A_529 = tpu.vector_load %arg8[%swap3A_526, %swap3A_527, %swap3A_528] {strides = array<i32>} : memref<6x16x1024xf32, #tpu.memory_space<vmem>>, vector<1x1x16xf32>,
      %swap3A_530 = vector.shape_cast %swap3A_529 : vector<1x1x16xf32> to vector<16xf32>
      %swap3A_531 = vector.shape_cast %add3A_523 : vector<16xf32> to vector<1x1x16xf32>
      tpu.vector_store %arg8[%swap3A_526, %swap3A_527, %swap3A_528], %swap3A_531 {strides = array<i32>} : memref<6x16x1024xf32, #tpu.memory_space<vmem>>, vector<1x1x16xf32>,
      %get3A_532 = arith.constant 0 : i32
      %get3A_533 = arith.constant 10 : i32
      %get3A_534 = arith.index_cast %get3A_532 : i32 to index
      %get3A_535 = arith.index_cast %get3A_533 : i32 to index
      %get3A_536 = arith.index_cast %mul3A_292 : i32 to index
      %get3A_537 = tpu.vector_load %arg8[%get3A_534, %get3A_535, %get3A_536] {strides = array<i32>} : memref<6x16x1024xf32, #tpu.memory_space<vmem>>, vector<1x1x16xf32>,
      %get3A_538 = vector.shape_cast %get3A_537 : vector<1x1x16xf32> to vector<16xf32>
      %get3A_539 = arith.constant 2 : i32
      %get3A_540 = arith.constant 10 : i32
      %get3A_541 = arith.index_cast %get3A_539 : i32 to index
      %get3A_542 = arith.index_cast %get3A_540 : i32 to index
      %get3A_543 = arith.index_cast %mul3A_292 : i32 to index
      %get3A_544 = tpu.vector_load %arg8[%get3A_541, %get3A_542, %get3A_543] {strides = array<i32>} : memref<6x16x1024xf32, #tpu.memory_space<vmem>>, vector<1x1x16xf32>,
      %get3A_545 = vector.shape_cast %get3A_544 : vector<1x1x16xf32> to vector<16xf32>
      %mul3A_546 = arith.mulf %get3A_545, %gather3A_270 : vector<16xf32>
      %add3A_547 = arith.addf %get3A_538, %mul3A_546 : vector<16xf32>
      %swap3A_548 = arith.constant 4 : i32
      %swap3A_549 = arith.constant 10 : i32
      %swap3A_550 = arith.index_cast %swap3A_548 : i32 to index
      %swap3A_551 = arith.index_cast %swap3A_549 : i32 to index
      %swap3A_552 = arith.index_cast %mul3A_292 : i32 to index
      %swap3A_553 = tpu.vector_load %arg8[%swap3A_550, %swap3A_551, %swap3A_552] {strides = array<i32>} : memref<6x16x1024xf32, #tpu.memory_space<vmem>>, vector<1x1x16xf32>,
      %swap3A_554 = vector.shape_cast %swap3A_553 : vector<1x1x16xf32> to vector<16xf32>
      %swap3A_555 = vector.shape_cast %add3A_547 : vector<16xf32> to vector<1x1x16xf32>
      tpu.vector_store %arg8[%swap3A_550, %swap3A_551, %swap3A_552], %swap3A_555 {strides = array<i32>} : memref<6x16x1024xf32, #tpu.memory_space<vmem>>, vector<1x1x16xf32>,
      %get3A_556 = arith.constant 0 : i32
      %get3A_557 = arith.constant 11 : i32
      %get3A_558 = arith.index_cast %get3A_556 : i32 to index
      %get3A_559 = arith.index_cast %get3A_557 : i32 to index
      %get3A_560 = arith.index_cast %mul3A_292 : i32 to index
      %get3A_561 = tpu.vector_load %arg8[%get3A_558, %get3A_559, %get3A_560] {strides = array<i32>} : memref<6x16x1024xf32, #tpu.memory_space<vmem>>, vector<1x1x16xf32>,
      %get3A_562 = vector.shape_cast %get3A_561 : vector<1x1x16xf32> to vector<16xf32>
      %get3A_563 = arith.constant 2 : i32
      %get3A_564 = arith.constant 11 : i32
      %get3A_565 = arith.index_cast %get3A_563 : i32 to index
      %get3A_566 = arith.index_cast %get3A_564 : i32 to index
      %get3A_567 = arith.index_cast %mul3A_292 : i32 to index
      %get3A_568 = tpu.vector_load %arg8[%get3A_565, %get3A_566, %get3A_567] {strides = array<i32>} : memref<6x16x1024xf32, #tpu.memory_space<vmem>>, vector<1x1x16xf32>,
      %get3A_569 = vector.shape_cast %get3A_568 : vector<1x1x16xf32> to vector<16xf32>
      %mul3A_570 = arith.mulf %get3A_569, %gather3A_270 : vector<16xf32>
      %add3A_571 = arith.addf %get3A_562, %mul3A_570 : vector<16xf32>
      %swap3A_572 = arith.constant 4 : i32
      %swap3A_573 = arith.constant 11 : i32
      %swap3A_574 = arith.index_cast %swap3A_572 : i32 to index
      %swap3A_575 = arith.index_cast %swap3A_573 : i32 to index
      %swap3A_576 = arith.index_cast %mul3A_292 : i32 to index
      %swap3A_577 = tpu.vector_load %arg8[%swap3A_574, %swap3A_575, %swap3A_576] {strides = array<i32>} : memref<6x16x1024xf32, #tpu.memory_space<vmem>>, vector<1x1x16xf32>,
      %swap3A_578 = vector.shape_cast %swap3A_577 : vector<1x1x16xf32> to vector<16xf32>
      %swap3A_579 = vector.shape_cast %add3A_571 : vector<16xf32> to vector<1x1x16xf32>
      tpu.vector_store %arg8[%swap3A_574, %swap3A_575, %swap3A_576], %swap3A_579 {strides = array<i32>} : memref<6x16x1024xf32, #tpu.memory_space<vmem>>, vector<1x1x16xf32>,
      %get3A_580 = arith.constant 0 : i32
      %get3A_581 = arith.constant 12 : i32
      %get3A_582 = arith.index_cast %get3A_580 : i32 to index
      %get3A_583 = arith.index_cast %get3A_581 : i32 to index
      %get3A_584 = arith.index_cast %mul3A_292 : i32 to index
      %get3A_585 = tpu.vector_load %arg8[%get3A_582, %get3A_583, %get3A_584] {strides = array<i32>} : memref<6x16x1024xf32, #tpu.memory_space<vmem>>, vector<1x1x16xf32>,
      %get3A_586 = vector.shape_cast %get3A_585 : vector<1x1x16xf32> to vector<16xf32>
      %get3A_587 = arith.constant 2 : i32
      %get3A_588 = arith.constant 12 : i32
      %get3A_589 = arith.index_cast %get3A_587 : i32 to index
      %get3A_590 = arith.index_cast %get3A_588 : i32 to index
      %get3A_591 = arith.index_cast %mul3A_292 : i32 to index
      %get3A_592 = tpu.vector_load %arg8[%get3A_589, %get3A_590, %get3A_591] {strides = array<i32>} : memref<6x16x1024xf32, #tpu.memory_space<vmem>>, vector<1x1x16xf32>,
      %get3A_593 = vector.shape_cast %get3A_592 : vector<1x1x16xf32> to vector<16xf32>
      %mul3A_594 = arith.mulf %get3A_593, %gather3A_279 : vector<16xf32>
      %add3A_595 = arith.addf %get3A_586, %mul3A_594 : vector<16xf32>
      %swap3A_596 = arith.constant 4 : i32
      %swap3A_597 = arith.constant 12 : i32
      %swap3A_598 = arith.index_cast %swap3A_596 : i32 to index
      %swap3A_599 = arith.index_cast %swap3A_597 : i32 to index
      %swap3A_600 = arith.index_cast %mul3A_292 : i32 to index
      %swap3A_601 = tpu.vector_load %arg8[%swap3A_598, %swap3A_599, %swap3A_600] {strides = array<i32>} : memref<6x16x1024xf32, #tpu.memory_space<vmem>>, vector<1x1x16xf32>,
      %swap3A_602 = vector.shape_cast %swap3A_601 : vector<1x1x16xf32> to vector<16xf32>
      %swap3A_603 = vector.shape_cast %add3A_595 : vector<16xf32> to vector<1x1x16xf32>
      tpu.vector_store %arg8[%swap3A_598, %swap3A_599, %swap3A_600], %swap3A_603 {strides = array<i32>} : memref<6x16x1024xf32, #tpu.memory_space<vmem>>, vector<1x1x16xf32>,
      %get3A_604 = arith.constant 0 : i32
      %get3A_605 = arith.constant 13 : i32
      %get3A_606 = arith.index_cast %get3A_604 : i32 to index
      %get3A_607 = arith.index_cast %get3A_605 : i32 to index
      %get3A_608 = arith.index_cast %mul3A_292 : i32 to index
      %get3A_609 = tpu.vector_load %arg8[%get3A_606, %get3A_607, %get3A_608] {strides = array<i32>} : memref<6x16x1024xf32, #tpu.memory_space<vmem>>, vector<1x1x16xf32>,
      %get3A_610 = vector.shape_cast %get3A_609 : vector<1x1x16xf32> to vector<16xf32>
      %get3A_611 = arith.constant 2 : i32
      %get3A_612 = arith.constant 13 : i32
      %get3A_613 = arith.index_cast %get3A_611 : i32 to index
      %get3A_614 = arith.index_cast %get3A_612 : i32 to index
      %get3A_615 = arith.index_cast %mul3A_292 : i32 to index
      %get3A_616 = tpu.vector_load %arg8[%get3A_613, %get3A_614, %get3A_615] {strides = array<i32>} : memref<6x16x1024xf32, #tpu.memory_space<vmem>>, vector<1x1x16xf32>,
      %get3A_617 = vector.shape_cast %get3A_616 : vector<1x1x16xf32> to vector<16xf32>
      %mul3A_618 = arith.mulf %get3A_617, %gather3A_279 : vector<16xf32>
      %add3A_619 = arith.addf %get3A_610, %mul3A_618 : vector<16xf32>
      %swap3A_620 = arith.constant 4 : i32
      %swap3A_621 = arith.constant 13 : i32
      %swap3A_622 = arith.index_cast %swap3A_620 : i32 to index
      %swap3A_623 = arith.index_cast %swap3A_621 : i32 to index
      %swap3A_624 = arith.index_cast %mul3A_292 : i32 to index
      %swap3A_625 = tpu.vector_load %arg8[%swap3A_622, %swap3A_623, %swap3A_624] {strides = array<i32>} : memref<6x16x1024xf32, #tpu.memory_space<vmem>>, vector<1x1x16xf32>,
      %swap3A_626 = vector.shape_cast %swap3A_625 : vector<1x1x16xf32> to vector<16xf32>
      %swap3A_627 = vector.shape_cast %add3A_619 : vector<16xf32> to vector<1x1x16xf32>
      tpu.vector_store %arg8[%swap3A_622, %swap3A_623, %swap3A_624], %swap3A_627 {strides = array<i32>} : memref<6x16x1024xf32, #tpu.memory_space<vmem>>, vector<1x1x16xf32>,
      %get3A_628 = arith.constant 0 : i32
      %get3A_629 = arith.constant 14 : i32
      %get3A_630 = arith.index_cast %get3A_628 : i32 to index
      %get3A_631 = arith.index_cast %get3A_629 : i32 to index
      %get3A_632 = arith.index_cast %mul3A_292 : i32 to index
      %get3A_633 = tpu.vector_load %arg8[%get3A_630, %get3A_631, %get3A_632] {strides = array<i32>} : memref<6x16x1024xf32, #tpu.memory_space<vmem>>, vector<1x1x16xf32>,
      %get3A_634 = vector.shape_cast %get3A_633 : vector<1x1x16xf32> to vector<16xf32>
      %get3A_635 = arith.constant 2 : i32
      %get3A_636 = arith.constant 14 : i32
      %get3A_637 = arith.index_cast %get3A_635 : i32 to index
      %get3A_638 = arith.index_cast %get3A_636 : i32 to index
      %get3A_639 = arith.index_cast %mul3A_292 : i32 to index
      %get3A_640 = tpu.vector_load %arg8[%get3A_637, %get3A_638, %get3A_639] {strides = array<i32>} : memref<6x16x1024xf32, #tpu.memory_space<vmem>>, vector<1x1x16xf32>,
      %get3A_641 = vector.shape_cast %get3A_640 : vector<1x1x16xf32> to vector<16xf32>
      %mul3A_642 = arith.mulf %get3A_641, %gather3A_288 : vector<16xf32>
      %add3A_643 = arith.addf %get3A_634, %mul3A_642 : vector<16xf32>
      %swap3A_644 = arith.constant 4 : i32
      %swap3A_645 = arith.constant 14 : i32
      %swap3A_646 = arith.index_cast %swap3A_644 : i32 to index
      %swap3A_647 = arith.index_cast %swap3A_645 : i32 to index
      %swap3A_648 = arith.index_cast %mul3A_292 : i32 to index
      %swap3A_649 = tpu.vector_load %arg8[%swap3A_646, %swap3A_647, %swap3A_648] {strides = array<i32>} : memref<6x16x1024xf32, #tpu.memory_space<vmem>>, vector<1x1x16xf32>,
      %swap3A_650 = vector.shape_cast %swap3A_649 : vector<1x1x16xf32> to vector<16xf32>
      %swap3A_651 = vector.shape_cast %add3A_643 : vector<16xf32> to vector<1x1x16xf32>
      tpu.vector_store %arg8[%swap3A_646, %swap3A_647, %swap3A_648], %swap3A_651 {strides = array<i32>} : memref<6x16x1024xf32, #tpu.memory_space<vmem>>, vector<1x1x16xf32>,
      %get3A_652 = arith.constant 0 : i32
      %get3A_653 = arith.constant 15 : i32
      %get3A_654 = arith.index_cast %get3A_652 : i32 to index
      %get3A_655 = arith.index_cast %get3A_653 : i32 to index
      %get3A_656 = arith.index_cast %mul3A_292 : i32 to index
      %get3A_657 = tpu.vector_load %arg8[%get3A_654, %get3A_655, %get3A_656] {strides = array<i32>} : memref<6x16x1024xf32, #tpu.memory_space<vmem>>, vector<1x1x16xf32>,
      %get3A_658 = vector.shape_cast %get3A_657 : vector<1x1x16xf32> to vector<16xf32>
      %get3A_659 = arith.constant 2 : i32
      %get3A_660 = arith.constant 15 : i32
      %get3A_661 = arith.index_cast %get3A_659 : i32 to index
      %get3A_662 = arith.index_cast %get3A_660 : i32 to index
      %get3A_663 = arith.index_cast %mul3A_292 : i32 to index
      %get3A_664 = tpu.vector_load %arg8[%get3A_661, %get3A_662, %get3A_663] {strides = array<i32>} : memref<6x16x1024xf32, #tpu.memory_space<vmem>>, vector<1x1x16xf32>,
      %get3A_665 = vector.shape_cast %get3A_664 : vector<1x1x16xf32> to vector<16xf32>
      %mul3A_666 = arith.mulf %get3A_665, %gather3A_288 : vector<16xf32>
      %add3A_667 = arith.addf %get3A_658, %mul3A_666 : vector<16xf32>
      %swap3A_668 = arith.constant 4 : i32
      %swap3A_669 = arith.constant 15 : i32
      %swap3A_670 = arith.index_cast %swap3A_668 : i32 to index
      %swap3A_671 = arith.index_cast %swap3A_669 : i32 to index
      %swap3A_672 = arith.index_cast %mul3A_292 : i32 to index
      %swap3A_673 = tpu.vector_load %arg8[%swap3A_670, %swap3A_671, %swap3A_672] {strides = array<i32>} : memref<6x16x1024xf32, #tpu.memory_space<vmem>>, vector<1x1x16xf32>,
      %swap3A_674 = vector.shape_cast %swap3A_673 : vector<1x1x16xf32> to vector<16xf32>
      %swap3A_675 = vector.shape_cast %add3A_667 : vector<16xf32> to vector<1x1x16xf32>
      tpu.vector_store %arg8[%swap3A_670, %swap3A_671, %swap3A_672], %swap3A_675 {strides = array<i32>} : memref<6x16x1024xf32, #tpu.memory_space<vmem>>, vector<1x1x16xf32>,
      %scan3A_676 = arith.constant 1 : i32
      %mul3A_677 = arith.constant 16 : i32
      %mul3A_678 = arith.muli %mul3A_169, %mul3A_677 : i32
      %add3A_679 = arith.addi %mul3A_4, %mul3A_678 : i32
      %dma_start3A_680 = arith.constant 4 : i32
      %dma_start3A_681 = arith.constant 0 : i32
      %dma_start3A_682 = arith.constant 0 : i32
      %dma_start3A_683 = tpu.memref_slice %arg8[%dma_start3A_680, %dma_start3A_681, %dma_start3A_682] : memref<6x16x1024xf32, #tpu.memory_space<vmem>> -> memref<1x16x1024xf32, #tpu.memory_space<vmem>>
      %dma_start3A_684 = tpu.memref_squeeze %dma_start3A_683 : memref<1x16x1024xf32, #tpu.memory_space<vmem>> -> memref<16x1024xf32, #tpu.memory_space<vmem>>
      %dma_start3A_685 = arith.constant 0 : i32
      %dma_start3A_686 = tpu.memref_slice %arg5[%add3A_679, %dma_start3A_685] : memref<8192x1024xf32, #tpu.memory_space<hbm>> -> memref<16x1024xf32, #tpu.memory_space<hbm>>
      %dma_start3A_687 = arith.constant 0 : i32
      %dma_start3A_688 = tpu.memref_slice %arg5[%add3A_679, %dma_start3A_687] : memref<8192x1024xf32, #tpu.memory_space<hbm>> -> memref<16x1024xf32, #tpu.memory_space<hbm>>
      %dma_start3A_689 = arith.constant 0 : i32
      %dma_start3A_690 = arith.constant 0 : i32
      %dma_start3A_691 = tpu.memref_slice %arg8[%dma_start3A_680, %dma_start3A_689, %dma_start3A_690] : memref<6x16x1024xf32, #tpu.memory_space<vmem>> -> memref<1x16x1024xf32, #tpu.memory_space<vmem>>
      %dma_start3A_692 = tpu.memref_squeeze %dma_start3A_691 : memref<1x16x1024xf32, #tpu.memory_space<vmem>> -> memref<16x1024xf32, #tpu.memory_space<vmem>>
      tpu.enqueue_dma source(%dma_start3A_692 : memref<16x1024xf32, #tpu.memory_space<vmem>>) target(%dma_start3A_688 : memref<16x1024xf32, #tpu.memory_space<hbm>>) target_semaphore(%arg14 : memref<!tpu.dma_semaphore, #tpu.memory_space<semaphore_mem>>)
      %add3A_693 = arith.constant 2 : i32
      %add3A_694 = arith.addi %mul3A_169, %add3A_693 : i32
      %min3A_695 = arith.constant 15 : i32
      %min3A_696 = arith.minsi %add3A_694, %min3A_695 : i32
      %mul3A_697 = arith.constant 16 : i32
      %mul3A_698 = arith.muli %min3A_696, %mul3A_697 : i32
      %add3A_699 = arith.addi %mul3A_4, %mul3A_698 : i32
      %dma_start3A_700 = arith.constant 0 : i32
      %dma_start3A_701 = arith.constant 0 : i32
      %dma_start3A_702 = arith.constant 0 : i32
      %dma_start3A_703 = tpu.memref_slice %arg8[%dma_start3A_700, %dma_start3A_701, %dma_start3A_702] : memref<6x16x1024xf32, #tpu.memory_space<vmem>> -> memref<1x16x1024xf32, #tpu.memory_space<vmem>>
      %dma_start3A_704 = tpu.memref_squeeze %dma_start3A_703 : memref<1x16x1024xf32, #tpu.memory_space<vmem>> -> memref<16x1024xf32, #tpu.memory_space<vmem>>
      %dma_start3A_705 = arith.constant 0 : i32
      %dma_start3A_706 = tpu.memref_slice %arg2[%add3A_699, %dma_start3A_705] : memref<8192x1024xf32, #tpu.memory_space<hbm>> -> memref<16x1024xf32, #tpu.memory_space<hbm>>
      %dma_start3A_707 = arith.constant 0 : i32
      %dma_start3A_708 = arith.constant 0 : i32
      %dma_start3A_709 = tpu.memref_slice %arg8[%dma_start3A_700, %dma_start3A_707, %dma_start3A_708] : memref<6x16x1024xf32, #tpu.memory_space<vmem>> -> memref<1x16x1024xf32, #tpu.memory_space<vmem>>
      %dma_start3A_710 = tpu.memref_squeeze %dma_start3A_709 : memref<1x16x1024xf32, #tpu.memory_space<vmem>> -> memref<16x1024xf32, #tpu.memory_space<vmem>>
      %dma_start3A_711 = arith.constant 0 : i32
      %dma_start3A_712 = tpu.memref_slice %arg2[%add3A_699, %dma_start3A_711] : memref<8192x1024xf32, #tpu.memory_space<hbm>> -> memref<16x1024xf32, #tpu.memory_space<hbm>>
      tpu.enqueue_dma source(%dma_start3A_712 : memref<16x1024xf32, #tpu.memory_space<hbm>>) target(%dma_start3A_710 : memref<16x1024xf32, #tpu.memory_space<vmem>>) target_semaphore(%arg10 : memref<!tpu.dma_semaphore, #tpu.memory_space<semaphore_mem>>)
      %dma_start3A_713 = arith.constant 2 : i32
      %dma_start3A_714 = arith.constant 0 : i32
      %dma_start3A_715 = arith.constant 0 : i32
      %dma_start3A_716 = tpu.memref_slice %arg8[%dma_start3A_713, %dma_start3A_714, %dma_start3A_715] : memref<6x16x1024xf32, #tpu.memory_space<vmem>> -> memref<1x16x1024xf32, #tpu.memory_space<vmem>>
      %dma_start3A_717 = tpu.memref_squeeze %dma_start3A_716 : memref<1x16x1024xf32, #tpu.memory_space<vmem>> -> memref<16x1024xf32, #tpu.memory_space<vmem>>
      %dma_start3A_718 = arith.constant 0 : i32
      %dma_start3A_719 = tpu.memref_slice %arg3[%add3A_699, %dma_start3A_718] : memref<8192x1024xf32, #tpu.memory_space<hbm>> -> memref<16x1024xf32, #tpu.memory_space<hbm>>
      %dma_start3A_720 = arith.constant 0 : i32
      %dma_start3A_721 = arith.constant 0 : i32
      %dma_start3A_722 = tpu.memref_slice %arg8[%dma_start3A_713, %dma_start3A_720, %dma_start3A_721] : memref<6x16x1024xf32, #tpu.memory_space<vmem>> -> memref<1x16x1024xf32, #tpu.memory_space<vmem>>
      %dma_start3A_723 = tpu.memref_squeeze %dma_start3A_722 : memref<1x16x1024xf32, #tpu.memory_space<vmem>> -> memref<16x1024xf32, #tpu.memory_space<vmem>>
      %dma_start3A_724 = arith.constant 0 : i32
      %dma_start3A_725 = tpu.memref_slice %arg3[%add3A_699, %dma_start3A_724] : memref<8192x1024xf32, #tpu.memory_space<hbm>> -> memref<16x1024xf32, #tpu.memory_space<hbm>>
      tpu.enqueue_dma source(%dma_start3A_725 : memref<16x1024xf32, #tpu.memory_space<hbm>>) target(%dma_start3A_723 : memref<16x1024xf32, #tpu.memory_space<vmem>>) target_semaphore(%arg12 : memref<!tpu.dma_semaphore, #tpu.memory_space<semaphore_mem>>)
      %mul3A_726 = arith.constant 2 : i32
      %mul3A_727 = arith.muli %scan3A_167, %mul3A_726 : i32
      %add3A_728 = arith.constant 1 : i32
      %add3A_729 = arith.addi %mul3A_727, %add3A_728 : i32
      %dma_wait3A_730 = arith.constant 1 : i32
      %dma_wait3A_731 = arith.constant 0 : i32
      %dma_wait3A_732 = arith.constant 0 : i32
      %dma_wait3A_733 = tpu.memref_slice %arg8[%dma_wait3A_730, %dma_wait3A_731, %dma_wait3A_732] : memref<6x16x1024xf32, #tpu.memory_space<vmem>> -> memref<1x16x1024xf32, #tpu.memory_space<vmem>>
      %dma_wait3A_734 = tpu.memref_squeeze %dma_wait3A_733 : memref<1x16x1024xf32, #tpu.memory_space<vmem>> -> memref<16x1024xf32, #tpu.memory_space<vmem>>
      %dma_wait3A_735 = arith.constant 0 : i32
      %dma_wait3A_736 = arith.constant 0 : i32
      %dma_wait3A_737 = tpu.memref_slice %arg2[%dma_wait3A_735, %dma_wait3A_736] : memref<8192x1024xf32, #tpu.memory_space<hbm>> -> memref<16x1024xf32, #tpu.memory_space<hbm>>
      %dma_wait3A_738 = arith.constant 0 : i32
      %dma_wait3A_739 = arith.constant 0 : i32
      %dma_wait3A_740 = tpu.memref_slice %arg8[%dma_wait3A_730, %dma_wait3A_738, %dma_wait3A_739] : memref<6x16x1024xf32, #tpu.memory_space<vmem>> -> memref<1x16x1024xf32, #tpu.memory_space<vmem>>
      %dma_wait3A_741 = tpu.memref_squeeze %dma_wait3A_740 : memref<1x16x1024xf32, #tpu.memory_space<vmem>> -> memref<16x1024xf32, #tpu.memory_space<vmem>>
      %dma_wait3A_742 = arith.constant 0 : i32
      %dma_wait3A_743 = arith.constant 0 : i32
      %dma_wait3A_744 = tpu.memref_slice %arg2[%dma_wait3A_742, %dma_wait3A_743] : memref<8192x1024xf32, #tpu.memory_space<hbm>> -> memref<16x1024xf32, #tpu.memory_space<hbm>>
      tpu.wait_dma2 semaphore(%arg11 : memref<!tpu.dma_semaphore, #tpu.memory_space<semaphore_mem>>) src(%dma_wait3A_744 : memref<16x1024xf32, #tpu.memory_space<hbm>>) dst(%dma_wait3A_741 : memref<16x1024xf32, #tpu.memory_space<vmem>>)
      %dma_wait3A_745 = arith.constant 3 : i32
      %dma_wait3A_746 = arith.constant 0 : i32
      %dma_wait3A_747 = arith.constant 0 : i32
      %dma_wait3A_748 = tpu.memref_slice %arg8[%dma_wait3A_745, %dma_wait3A_746, %dma_wait3A_747] : memref<6x16x1024xf32, #tpu.memory_space<vmem>> -> memref<1x16x1024xf32, #tpu.memory_space<vmem>>
      %dma_wait3A_749 = tpu.memref_squeeze %dma_wait3A_748 : memref<1x16x1024xf32, #tpu.memory_space<vmem>> -> memref<16x1024xf32, #tpu.memory_space<vmem>>
      %dma_wait3A_750 = arith.constant 0 : i32
      %dma_wait3A_751 = arith.constant 0 : i32
      %dma_wait3A_752 = tpu.memref_slice %arg3[%dma_wait3A_750, %dma_wait3A_751] : memref<8192x1024xf32, #tpu.memory_space<hbm>> -> memref<16x1024xf32, #tpu.memory_space<hbm>>
      %dma_wait3A_753 = arith.constant 0 : i32
      %dma_wait3A_754 = arith.constant 0 : i32
      %dma_wait3A_755 = tpu.memref_slice %arg8[%dma_wait3A_745, %dma_wait3A_753, %dma_wait3A_754] : memref<6x16x1024xf32, #tpu.memory_space<vmem>> -> memref<1x16x1024xf32, #tpu.memory_space<vmem>>
      %dma_wait3A_756 = tpu.memref_squeeze %dma_wait3A_755 : memref<1x16x1024xf32, #tpu.memory_space<vmem>> -> memref<16x1024xf32, #tpu.memory_space<vmem>>
      %dma_wait3A_757 = arith.constant 0 : i32
      %dma_wait3A_758 = arith.constant 0 : i32
      %dma_wait3A_759 = tpu.memref_slice %arg3[%dma_wait3A_757, %dma_wait3A_758] : memref<8192x1024xf32, #tpu.memory_space<hbm>> -> memref<16x1024xf32, #tpu.memory_space<hbm>>
      tpu.wait_dma2 semaphore(%arg13 : memref<!tpu.dma_semaphore, #tpu.memory_space<semaphore_mem>>) src(%dma_wait3A_759 : memref<16x1024xf32, #tpu.memory_space<hbm>>) dst(%dma_wait3A_756 : memref<16x1024xf32, #tpu.memory_space<vmem>>)
      %dma_wait3A_760 = arith.constant 5 : i32
      %dma_wait3A_761 = arith.constant 0 : i32
      %dma_wait3A_762 = arith.constant 0 : i32
      %dma_wait3A_763 = tpu.memref_slice %arg8[%dma_wait3A_760, %dma_wait3A_761, %dma_wait3A_762] : memref<6x16x1024xf32, #tpu.memory_space<vmem>> -> memref<1x16x1024xf32, #tpu.memory_space<vmem>>
      %dma_wait3A_764 = tpu.memref_squeeze %dma_wait3A_763 : memref<1x16x1024xf32, #tpu.memory_space<vmem>> -> memref<16x1024xf32, #tpu.memory_space<vmem>>
      %dma_wait3A_765 = arith.constant 0 : i32
      %dma_wait3A_766 = arith.constant 0 : i32
      %dma_wait3A_767 = tpu.memref_slice %arg5[%dma_wait3A_765, %dma_wait3A_766] : memref<8192x1024xf32, #tpu.memory_space<hbm>> -> memref<16x1024xf32, #tpu.memory_space<hbm>>
      %dma_wait3A_768 = arith.constant 0 : i32
      %dma_wait3A_769 = arith.constant 0 : i32
      %dma_wait3A_770 = tpu.memref_slice %arg5[%dma_wait3A_768, %dma_wait3A_769] : memref<8192x1024xf32, #tpu.memory_space<hbm>> -> memref<16x1024xf32, #tpu.memory_space<hbm>>
      %dma_wait3A_771 = arith.constant 0 : i32
      %dma_wait3A_772 = arith.constant 0 : i32
      %dma_wait3A_773 = tpu.memref_slice %arg8[%dma_wait3A_760, %dma_wait3A_771, %dma_wait3A_772] : memref<6x16x1024xf32, #tpu.memory_space<vmem>> -> memref<1x16x1024xf32, #tpu.memory_space<vmem>>
      %dma_wait3A_774 = tpu.memref_squeeze %dma_wait3A_773 : memref<1x16x1024xf32, #tpu.memory_space<vmem>> -> memref<16x1024xf32, #tpu.memory_space<vmem>>
      tpu.wait_dma2 semaphore(%arg15 : memref<!tpu.dma_semaphore, #tpu.memory_space<semaphore_mem>>) src(%dma_wait3A_774 : memref<16x1024xf32, #tpu.memory_space<vmem>>) dst(%dma_wait3A_770 : memref<16x1024xf32, #tpu.memory_space<hbm>>)
      %mul3A_775 = arith.constant 8 : i32
      %mul3A_776 = arith.muli %add3A_729, %mul3A_775 : i32
      %get3A_777 = arith.index_cast %mul3A_776 : i32 to index
      %get3A_778 = tpu.vector_load %arg7[%get3A_777] {strides = array<i32>} : memref<144xf32, #tpu.memory_space<vmem>>, vector<16xf32>,
      %get3A_779 = vector.shape_cast %get3A_778 : vector<16xf32> to vector<16xf32>
      %mul3A_780 = arith.constant 0 : i32
      %mul3A_781 = vector.broadcast %mul3A_780 : i32 to vector<16xi32>
      %mul3A_782 = arith.muli %iota3A, %mul3A_781 : vector<16xi32>
      %add3A_783 = arith.constant 0 : i32
      %add3A_784 = vector.broadcast %add3A_783 : i32 to vector<16xi32>
      %add3A_785 = arith.addi %mul3A_782, %add3A_784 : vector<16xi32>
      %broadcast_in_dim3A_786 = vector.shape_cast %add3A_785 : vector<16xi32> to vector<16x1xi32>
      %gather3A_787 = vector.shape_cast %broadcast_in_dim3A_786 : vector<16x1xi32> to vector<16xi32>
      %gather3A_788 = tpu.dynamic_gather %get3A_779[%gather3A_787] in [0] : vector<16xf32>, vector<16xi32> -> vector<16xf32>
      %mul3A_789 = arith.constant 0 : i32
      %mul3A_790 = vector.broadcast %mul3A_789 : i32 to vector<16xi32>
      %mul3A_791 = arith.muli %iota3A, %mul3A_790 : vector<16xi32>
      %add3A_792 = arith.constant 1 : i32
      %add3A_793 = vector.broadcast %add3A_792 : i32 to vector<16xi32>
      %add3A_794 = arith.addi %mul3A_791, %add3A_793 : vector<16xi32>
      %broadcast_in_dim3A_795 = vector.shape_cast %add3A_794 : vector<16xi32> to vector<16x1xi32>
      %gather3A_796 = vector.shape_cast %broadcast_in_dim3A_795 : vector<16x1xi32> to vector<16xi32>
      %gather3A_797 = tpu.dynamic_gather %get3A_779[%gather3A_796] in [0] : vector<16xf32>, vector<16xi32> -> vector<16xf32>
      %mul3A_798 = arith.constant 0 : i32
      %mul3A_799 = vector.broadcast %mul3A_798 : i32 to vector<16xi32>
      %mul3A_800 = arith.muli %iota3A, %mul3A_799 : vector<16xi32>
      %add3A_801 = arith.constant 2 : i32
      %add3A_802 = vector.broadcast %add3A_801 : i32 to vector<16xi32>
      %add3A_803 = arith.addi %mul3A_800, %add3A_802 : vector<16xi32>
      %broadcast_in_dim3A_804 = vector.shape_cast %add3A_803 : vector<16xi32> to vector<16x1xi32>
      %gather3A_805 = vector.shape_cast %broadcast_in_dim3A_804 : vector<16x1xi32> to vector<16xi32>
      %gather3A_806 = tpu.dynamic_gather %get3A_779[%gather3A_805] in [0] : vector<16xf32>, vector<16xi32> -> vector<16xf32>
      %mul3A_807 = arith.constant 0 : i32
      %mul3A_808 = vector.broadcast %mul3A_807 : i32 to vector<16xi32>
      %mul3A_809 = arith.muli %iota3A, %mul3A_808 : vector<16xi32>
      %add3A_810 = arith.constant 3 : i32
      %add3A_811 = vector.broadcast %add3A_810 : i32 to vector<16xi32>
      %add3A_812 = arith.addi %mul3A_809, %add3A_811 : vector<16xi32>
      %broadcast_in_dim3A_813 = vector.shape_cast %add3A_812 : vector<16xi32> to vector<16x1xi32>
      %gather3A_814 = vector.shape_cast %broadcast_in_dim3A_813 : vector<16x1xi32> to vector<16xi32>
      %gather3A_815 = tpu.dynamic_gather %get3A_779[%gather3A_814] in [0] : vector<16xf32>, vector<16xi32> -> vector<16xf32>
      %mul3A_816 = arith.constant 0 : i32
      %mul3A_817 = vector.broadcast %mul3A_816 : i32 to vector<16xi32>
      %mul3A_818 = arith.muli %iota3A, %mul3A_817 : vector<16xi32>
      %add3A_819 = arith.constant 4 : i32
      %add3A_820 = vector.broadcast %add3A_819 : i32 to vector<16xi32>
      %add3A_821 = arith.addi %mul3A_818, %add3A_820 : vector<16xi32>
      %broadcast_in_dim3A_822 = vector.shape_cast %add3A_821 : vector<16xi32> to vector<16x1xi32>
      %gather3A_823 = vector.shape_cast %broadcast_in_dim3A_822 : vector<16x1xi32> to vector<16xi32>
      %gather3A_824 = tpu.dynamic_gather %get3A_779[%gather3A_823] in [0] : vector<16xf32>, vector<16xi32> -> vector<16xf32>
      %mul3A_825 = arith.constant 0 : i32
      %mul3A_826 = vector.broadcast %mul3A_825 : i32 to vector<16xi32>
      %mul3A_827 = arith.muli %iota3A, %mul3A_826 : vector<16xi32>
      %add3A_828 = arith.constant 5 : i32
      %add3A_829 = vector.broadcast %add3A_828 : i32 to vector<16xi32>
      %add3A_830 = arith.addi %mul3A_827, %add3A_829 : vector<16xi32>
      %broadcast_in_dim3A_831 = vector.shape_cast %add3A_830 : vector<16xi32> to vector<16x1xi32>
      %gather3A_832 = vector.shape_cast %broadcast_in_dim3A_831 : vector<16x1xi32> to vector<16xi32>
      %gather3A_833 = tpu.dynamic_gather %get3A_779[%gather3A_832] in [0] : vector<16xf32>, vector<16xi32> -> vector<16xf32>
      %mul3A_834 = arith.constant 0 : i32
      %mul3A_835 = vector.broadcast %mul3A_834 : i32 to vector<16xi32>
      %mul3A_836 = arith.muli %iota3A, %mul3A_835 : vector<16xi32>
      %add3A_837 = arith.constant 6 : i32
      %add3A_838 = vector.broadcast %add3A_837 : i32 to vector<16xi32>
      %add3A_839 = arith.addi %mul3A_836, %add3A_838 : vector<16xi32>
      %broadcast_in_dim3A_840 = vector.shape_cast %add3A_839 : vector<16xi32> to vector<16x1xi32>
      %gather3A_841 = vector.shape_cast %broadcast_in_dim3A_840 : vector<16x1xi32> to vector<16xi32>
      %gather3A_842 = tpu.dynamic_gather %get3A_779[%gather3A_841] in [0] : vector<16xf32>, vector<16xi32> -> vector<16xf32>
      %mul3A_843 = arith.constant 0 : i32
      %mul3A_844 = vector.broadcast %mul3A_843 : i32 to vector<16xi32>
      %mul3A_845 = arith.muli %iota3A, %mul3A_844 : vector<16xi32>
      %add3A_846 = arith.constant 7 : i32
      %add3A_847 = vector.broadcast %add3A_846 : i32 to vector<16xi32>
      %add3A_848 = arith.addi %mul3A_845, %add3A_847 : vector<16xi32>
      %broadcast_in_dim3A_849 = vector.shape_cast %add3A_848 : vector<16xi32> to vector<16x1xi32>
      %gather3A_850 = vector.shape_cast %broadcast_in_dim3A_849 : vector<16x1xi32> to vector<16xi32>
      %gather3A_851 = tpu.dynamic_gather %get3A_779[%gather3A_850] in [0] : vector<16xf32>, vector<16xi32> -> vector<16xf32>
      %scan3A_852 = arith.constant 0 : i32
      %scan3A_853 = arith.constant 0 : i32
      %mul3A_854 = arith.constant 16 : i32
      %mul3A_855 = arith.muli %scan3A_853, %mul3A_854 : i32
      %get3A_856 = arith.constant 1 : i32
      %get3A_857 = arith.constant 0 : i32
      %get3A_858 = arith.index_cast %get3A_856 : i32 to index
      %get3A_859 = arith.index_cast %get3A_857 : i32 to index
      %get3A_860 = arith.index_cast %mul3A_855 : i32 to index
      %get3A_861 = tpu.vector_load %arg8[%get3A_858, %get3A_859, %get3A_860] {strides = array<i32>} : memref<6x16x1024xf32, #tpu.memory_space<vmem>>, vector<1x1x16xf32>,
      %get3A_862 = vector.shape_cast %get3A_861 : vector<1x1x16xf32> to vector<16xf32>
      %get3A_863 = arith.constant 3 : i32
      %get3A_864 = arith.constant 0 : i32
      %get3A_865 = arith.index_cast %get3A_863 : i32 to index
      %get3A_866 = arith.index_cast %get3A_864 : i32 to index
      %get3A_867 = arith.index_cast %mul3A_855 : i32 to index
      %get3A_868 = tpu.vector_load %arg8[%get3A_865, %get3A_866, %get3A_867] {strides = array<i32>} : memref<6x16x1024xf32, #tpu.memory_space<vmem>>, vector<1x1x16xf32>,
      %get3A_869 = vector.shape_cast %get3A_868 : vector<1x1x16xf32> to vector<16xf32>
      %mul3A_870 = arith.mulf %get3A_869, %gather3A_788 : vector<16xf32>
      %add3A_871 = arith.addf %get3A_862, %mul3A_870 : vector<16xf32>
      %swap3A_872 = arith.constant 5 : i32
      %swap3A_873 = arith.constant 0 : i32
      %swap3A_874 = arith.index_cast %swap3A_872 : i32 to index
      %swap3A_875 = arith.index_cast %swap3A_873 : i32 to index
      %swap3A_876 = arith.index_cast %mul3A_855 : i32 to index
      %swap3A_877 = tpu.vector_load %arg8[%swap3A_874, %swap3A_875, %swap3A_876] {strides = array<i32>} : memref<6x16x1024xf32, #tpu.memory_space<vmem>>, vector<1x1x16xf32>,
      %swap3A_878 = vector.shape_cast %swap3A_877 : vector<1x1x16xf32> to vector<16xf32>
      %swap3A_879 = vector.shape_cast %add3A_871 : vector<16xf32> to vector<1x1x16xf32>
      tpu.vector_store %arg8[%swap3A_874, %swap3A_875, %swap3A_876], %swap3A_879 {strides = array<i32>} : memref<6x16x1024xf32, #tpu.memory_space<vmem>>, vector<1x1x16xf32>,
      %get3A_880 = arith.constant 1 : i32
      %get3A_881 = arith.constant 1 : i32
      %get3A_882 = arith.index_cast %get3A_880 : i32 to index
      %get3A_883 = arith.index_cast %get3A_881 : i32 to index
      %get3A_884 = arith.index_cast %mul3A_855 : i32 to index
      %get3A_885 = tpu.vector_load %arg8[%get3A_882, %get3A_883, %get3A_884] {strides = array<i32>} : memref<6x16x1024xf32, #tpu.memory_space<vmem>>, vector<1x1x16xf32>,
      %get3A_886 = vector.shape_cast %get3A_885 : vector<1x1x16xf32> to vector<16xf32>
      %get3A_887 = arith.constant 3 : i32
      %get3A_888 = arith.constant 1 : i32
      %get3A_889 = arith.index_cast %get3A_887 : i32 to index
      %get3A_890 = arith.index_cast %get3A_888 : i32 to index
      %get3A_891 = arith.index_cast %mul3A_855 : i32 to index
      %get3A_892 = tpu.vector_load %arg8[%get3A_889, %get3A_890, %get3A_891] {strides = array<i32>} : memref<6x16x1024xf32, #tpu.memory_space<vmem>>, vector<1x1x16xf32>,
      %get3A_893 = vector.shape_cast %get3A_892 : vector<1x1x16xf32> to vector<16xf32>
      %mul3A_894 = arith.mulf %get3A_893, %gather3A_788 : vector<16xf32>
      %add3A_895 = arith.addf %get3A_886, %mul3A_894 : vector<16xf32>
      %swap3A_896 = arith.constant 5 : i32
      %swap3A_897 = arith.constant 1 : i32
      %swap3A_898 = arith.index_cast %swap3A_896 : i32 to index
      %swap3A_899 = arith.index_cast %swap3A_897 : i32 to index
      %swap3A_900 = arith.index_cast %mul3A_855 : i32 to index
      %swap3A_901 = tpu.vector_load %arg8[%swap3A_898, %swap3A_899, %swap3A_900] {strides = array<i32>} : memref<6x16x1024xf32, #tpu.memory_space<vmem>>, vector<1x1x16xf32>,
      %swap3A_902 = vector.shape_cast %swap3A_901 : vector<1x1x16xf32> to vector<16xf32>
      %swap3A_903 = vector.shape_cast %add3A_895 : vector<16xf32> to vector<1x1x16xf32>
      tpu.vector_store %arg8[%swap3A_898, %swap3A_899, %swap3A_900], %swap3A_903 {strides = array<i32>} : memref<6x16x1024xf32, #tpu.memory_space<vmem>>, vector<1x1x16xf32>,
      %get3A_904 = arith.constant 1 : i32
      %get3A_905 = arith.constant 2 : i32
      %get3A_906 = arith.index_cast %get3A_904 : i32 to index
      %get3A_907 = arith.index_cast %get3A_905 : i32 to index
      %get3A_908 = arith.index_cast %mul3A_855 : i32 to index
      %get3A_909 = tpu.vector_load %arg8[%get3A_906, %get3A_907, %get3A_908] {strides = array<i32>} : memref<6x16x1024xf32, #tpu.memory_space<vmem>>, vector<1x1x16xf32>,
      %get3A_910 = vector.shape_cast %get3A_909 : vector<1x1x16xf32> to vector<16xf32>
      %get3A_911 = arith.constant 3 : i32
      %get3A_912 = arith.constant 2 : i32
      %get3A_913 = arith.index_cast %get3A_911 : i32 to index
      %get3A_914 = arith.index_cast %get3A_912 : i32 to index
      %get3A_915 = arith.index_cast %mul3A_855 : i32 to index
      %get3A_916 = tpu.vector_load %arg8[%get3A_913, %get3A_914, %get3A_915] {strides = array<i32>} : memref<6x16x1024xf32, #tpu.memory_space<vmem>>, vector<1x1x16xf32>,
      %get3A_917 = vector.shape_cast %get3A_916 : vector<1x1x16xf32> to vector<16xf32>
      %mul3A_918 = arith.mulf %get3A_917, %gather3A_797 : vector<16xf32>
      %add3A_919 = arith.addf %get3A_910, %mul3A_918 : vector<16xf32>
      %swap3A_920 = arith.constant 5 : i32
      %swap3A_921 = arith.constant 2 : i32
      %swap3A_922 = arith.index_cast %swap3A_920 : i32 to index
      %swap3A_923 = arith.index_cast %swap3A_921 : i32 to index
      %swap3A_924 = arith.index_cast %mul3A_855 : i32 to index
      %swap3A_925 = tpu.vector_load %arg8[%swap3A_922, %swap3A_923, %swap3A_924] {strides = array<i32>} : memref<6x16x1024xf32, #tpu.memory_space<vmem>>, vector<1x1x16xf32>,
      %swap3A_926 = vector.shape_cast %swap3A_925 : vector<1x1x16xf32> to vector<16xf32>
      %swap3A_927 = vector.shape_cast %add3A_919 : vector<16xf32> to vector<1x1x16xf32>
      tpu.vector_store %arg8[%swap3A_922, %swap3A_923, %swap3A_924], %swap3A_927 {strides = array<i32>} : memref<6x16x1024xf32, #tpu.memory_space<vmem>>, vector<1x1x16xf32>,
      %get3A_928 = arith.constant 1 : i32
      %get3A_929 = arith.constant 3 : i32
      %get3A_930 = arith.index_cast %get3A_928 : i32 to index
      %get3A_931 = arith.index_cast %get3A_929 : i32 to index
      %get3A_932 = arith.index_cast %mul3A_855 : i32 to index
      %get3A_933 = tpu.vector_load %arg8[%get3A_930, %get3A_931, %get3A_932] {strides = array<i32>} : memref<6x16x1024xf32, #tpu.memory_space<vmem>>, vector<1x1x16xf32>,
      %get3A_934 = vector.shape_cast %get3A_933 : vector<1x1x16xf32> to vector<16xf32>
      %get3A_935 = arith.constant 3 : i32
      %get3A_936 = arith.constant 3 : i32
      %get3A_937 = arith.index_cast %get3A_935 : i32 to index
      %get3A_938 = arith.index_cast %get3A_936 : i32 to index
      %get3A_939 = arith.index_cast %mul3A_855 : i32 to index
      %get3A_940 = tpu.vector_load %arg8[%get3A_937, %get3A_938, %get3A_939] {strides = array<i32>} : memref<6x16x1024xf32, #tpu.memory_space<vmem>>, vector<1x1x16xf32>,
      %get3A_941 = vector.shape_cast %get3A_940 : vector<1x1x16xf32> to vector<16xf32>
      %mul3A_942 = arith.mulf %get3A_941, %gather3A_797 : vector<16xf32>
      %add3A_943 = arith.addf %get3A_934, %mul3A_942 : vector<16xf32>
      %swap3A_944 = arith.constant 5 : i32
      %swap3A_945 = arith.constant 3 : i32
      %swap3A_946 = arith.index_cast %swap3A_944 : i32 to index
      %swap3A_947 = arith.index_cast %swap3A_945 : i32 to index
      %swap3A_948 = arith.index_cast %mul3A_855 : i32 to index
      %swap3A_949 = tpu.vector_load %arg8[%swap3A_946, %swap3A_947, %swap3A_948] {strides = array<i32>} : memref<6x16x1024xf32, #tpu.memory_space<vmem>>, vector<1x1x16xf32>,
      %swap3A_950 = vector.shape_cast %swap3A_949 : vector<1x1x16xf32> to vector<16xf32>
      %swap3A_951 = vector.shape_cast %add3A_943 : vector<16xf32> to vector<1x1x16xf32>
      tpu.vector_store %arg8[%swap3A_946, %swap3A_947, %swap3A_948], %swap3A_951 {strides = array<i32>} : memref<6x16x1024xf32, #tpu.memory_space<vmem>>, vector<1x1x16xf32>,
      %get3A_952 = arith.constant 1 : i32
      %get3A_953 = arith.constant 4 : i32
      %get3A_954 = arith.index_cast %get3A_952 : i32 to index
      %get3A_955 = arith.index_cast %get3A_953 : i32 to index
      %get3A_956 = arith.index_cast %mul3A_855 : i32 to index
      %get3A_957 = tpu.vector_load %arg8[%get3A_954, %get3A_955, %get3A_956] {strides = array<i32>} : memref<6x16x1024xf32, #tpu.memory_space<vmem>>, vector<1x1x16xf32>,
      %get3A_958 = vector.shape_cast %get3A_957 : vector<1x1x16xf32> to vector<16xf32>
      %get3A_959 = arith.constant 3 : i32
      %get3A_960 = arith.constant 4 : i32
      %get3A_961 = arith.index_cast %get3A_959 : i32 to index
      %get3A_962 = arith.index_cast %get3A_960 : i32 to index
      %get3A_963 = arith.index_cast %mul3A_855 : i32 to index
      %get3A_964 = tpu.vector_load %arg8[%get3A_961, %get3A_962, %get3A_963] {strides = array<i32>} : memref<6x16x1024xf32, #tpu.memory_space<vmem>>, vector<1x1x16xf32>,
      %get3A_965 = vector.shape_cast %get3A_964 : vector<1x1x16xf32> to vector<16xf32>
      %mul3A_966 = arith.mulf %get3A_965, %gather3A_806 : vector<16xf32>
      %add3A_967 = arith.addf %get3A_958, %mul3A_966 : vector<16xf32>
      %swap3A_968 = arith.constant 5 : i32
      %swap3A_969 = arith.constant 4 : i32
      %swap3A_970 = arith.index_cast %swap3A_968 : i32 to index
      %swap3A_971 = arith.index_cast %swap3A_969 : i32 to index
      %swap3A_972 = arith.index_cast %mul3A_855 : i32 to index
      %swap3A_973 = tpu.vector_load %arg8[%swap3A_970, %swap3A_971, %swap3A_972] {strides = array<i32>} : memref<6x16x1024xf32, #tpu.memory_space<vmem>>, vector<1x1x16xf32>,
      %swap3A_974 = vector.shape_cast %swap3A_973 : vector<1x1x16xf32> to vector<16xf32>
      %swap3A_975 = vector.shape_cast %add3A_967 : vector<16xf32> to vector<1x1x16xf32>
      tpu.vector_store %arg8[%swap3A_970, %swap3A_971, %swap3A_972], %swap3A_975 {strides = array<i32>} : memref<6x16x1024xf32, #tpu.memory_space<vmem>>, vector<1x1x16xf32>,
      %get3A_976 = arith.constant 1 : i32
      %get3A_977 = arith.constant 5 : i32
      %get3A_978 = arith.index_cast %get3A_976 : i32 to index
      %get3A_979 = arith.index_cast %get3A_977 : i32 to index
      %get3A_980 = arith.index_cast %mul3A_855 : i32 to index
      %get3A_981 = tpu.vector_load %arg8[%get3A_978, %get3A_979, %get3A_980] {strides = array<i32>} : memref<6x16x1024xf32, #tpu.memory_space<vmem>>, vector<1x1x16xf32>,
      %get3A_982 = vector.shape_cast %get3A_981 : vector<1x1x16xf32> to vector<16xf32>
      %get3A_983 = arith.constant 3 : i32
      %get3A_984 = arith.constant 5 : i32
      %get3A_985 = arith.index_cast %get3A_983 : i32 to index
      %get3A_986 = arith.index_cast %get3A_984 : i32 to index
      %get3A_987 = arith.index_cast %mul3A_855 : i32 to index
      %get3A_988 = tpu.vector_load %arg8[%get3A_985, %get3A_986, %get3A_987] {strides = array<i32>} : memref<6x16x1024xf32, #tpu.memory_space<vmem>>, vector<1x1x16xf32>,
      %get3A_989 = vector.shape_cast %get3A_988 : vector<1x1x16xf32> to vector<16xf32>
      %mul3A_990 = arith.mulf %get3A_989, %gather3A_806 : vector<16xf32>
      %add3A_991 = arith.addf %get3A_982, %mul3A_990 : vector<16xf32>
      %swap3A_992 = arith.constant 5 : i32
      %swap3A_993 = arith.constant 5 : i32
      %swap3A_994 = arith.index_cast %swap3A_992 : i32 to index
      %swap3A_995 = arith.index_cast %swap3A_993 : i32 to index
      %swap3A_996 = arith.index_cast %mul3A_855 : i32 to index
      %swap3A_997 = tpu.vector_load %arg8[%swap3A_994, %swap3A_995, %swap3A_996] {strides = array<i32>} : memref<6x16x1024xf32, #tpu.memory_space<vmem>>, vector<1x1x16xf32>,
      %swap3A_998 = vector.shape_cast %swap3A_997 : vector<1x1x16xf32> to vector<16xf32>
      %swap3A_999 = vector.shape_cast %add3A_991 : vector<16xf32> to vector<1x1x16xf32>
      tpu.vector_store %arg8[%swap3A_994, %swap3A_995, %swap3A_996], %swap3A_999 {strides = array<i32>} : memref<6x16x1024xf32, #tpu.memory_space<vmem>>, vector<1x1x16xf32>,
      %get3A_1000 = arith.constant 1 : i32
      %get3A_1001 = arith.constant 6 : i32
      %get3A_1002 = arith.index_cast %get3A_1000 : i32 to index
      %get3A_1003 = arith.index_cast %get3A_1001 : i32 to index
      %get3A_1004 = arith.index_cast %mul3A_855 : i32 to index
      %get3A_1005 = tpu.vector_load %arg8[%get3A_1002, %get3A_1003, %get3A_1004] {strides = array<i32>} : memref<6x16x1024xf32, #tpu.memory_space<vmem>>, vector<1x1x16xf32>,
      %get3A_1006 = vector.shape_cast %get3A_1005 : vector<1x1x16xf32> to vector<16xf32>
      %get3A_1007 = arith.constant 3 : i32
      %get3A_1008 = arith.constant 6 : i32
      %get3A_1009 = arith.index_cast %get3A_1007 : i32 to index
      %get3A_1010 = arith.index_cast %get3A_1008 : i32 to index
      %get3A_1011 = arith.index_cast %mul3A_855 : i32 to index
      %get3A_1012 = tpu.vector_load %arg8[%get3A_1009, %get3A_1010, %get3A_1011] {strides = array<i32>} : memref<6x16x1024xf32, #tpu.memory_space<vmem>>, vector<1x1x16xf32>,
      %get3A_1013 = vector.shape_cast %get3A_1012 : vector<1x1x16xf32> to vector<16xf32>
      %mul3A_1014 = arith.mulf %get3A_1013, %gather3A_815 : vector<16xf32>
      %add3A_1015 = arith.addf %get3A_1006, %mul3A_1014 : vector<16xf32>
      %swap3A_1016 = arith.constant 5 : i32
      %swap3A_1017 = arith.constant 6 : i32
      %swap3A_1018 = arith.index_cast %swap3A_1016 : i32 to index
      %swap3A_1019 = arith.index_cast %swap3A_1017 : i32 to index
      %swap3A_1020 = arith.index_cast %mul3A_855 : i32 to index
      %swap3A_1021 = tpu.vector_load %arg8[%swap3A_1018, %swap3A_1019, %swap3A_1020] {strides = array<i32>} : memref<6x16x1024xf32, #tpu.memory_space<vmem>>, vector<1x1x16xf32>,
      %swap3A_1022 = vector.shape_cast %swap3A_1021 : vector<1x1x16xf32> to vector<16xf32>
      %swap3A_1023 = vector.shape_cast %add3A_1015 : vector<16xf32> to vector<1x1x16xf32>
      tpu.vector_store %arg8[%swap3A_1018, %swap3A_1019, %swap3A_1020], %swap3A_1023 {strides = array<i32>} : memref<6x16x1024xf32, #tpu.memory_space<vmem>>, vector<1x1x16xf32>,
      %get3A_1024 = arith.constant 1 : i32
      %get3A_1025 = arith.constant 7 : i32
      %get3A_1026 = arith.index_cast %get3A_1024 : i32 to index
      %get3A_1027 = arith.index_cast %get3A_1025 : i32 to index
      %get3A_1028 = arith.index_cast %mul3A_855 : i32 to index
      %get3A_1029 = tpu.vector_load %arg8[%get3A_1026, %get3A_1027, %get3A_1028] {strides = array<i32>} : memref<6x16x1024xf32, #tpu.memory_space<vmem>>, vector<1x1x16xf32>,
      %get3A_1030 = vector.shape_cast %get3A_1029 : vector<1x1x16xf32> to vector<16xf32>
      %get3A_1031 = arith.constant 3 : i32
      %get3A_1032 = arith.constant 7 : i32
      %get3A_1033 = arith.index_cast %get3A_1031 : i32 to index
      %get3A_1034 = arith.index_cast %get3A_1032 : i32 to index
      %get3A_1035 = arith.index_cast %mul3A_855 : i32 to index
      %get3A_1036 = tpu.vector_load %arg8[%get3A_1033, %get3A_1034, %get3A_1035] {strides = array<i32>} : memref<6x16x1024xf32, #tpu.memory_space<vmem>>, vector<1x1x16xf32>,
      %get3A_1037 = vector.shape_cast %get3A_1036 : vector<1x1x16xf32> to vector<16xf32>
      %mul3A_1038 = arith.mulf %get3A_1037, %gather3A_815 : vector<16xf32>
      %add3A_1039 = arith.addf %get3A_1030, %mul3A_1038 : vector<16xf32>
      %swap3A_1040 = arith.constant 5 : i32
      %swap3A_1041 = arith.constant 7 : i32
      %swap3A_1042 = arith.index_cast %swap3A_1040 : i32 to index
      %swap3A_1043 = arith.index_cast %swap3A_1041 : i32 to index
      %swap3A_1044 = arith.index_cast %mul3A_855 : i32 to index
      %swap3A_1045 = tpu.vector_load %arg8[%swap3A_1042, %swap3A_1043, %swap3A_1044] {strides = array<i32>} : memref<6x16x1024xf32, #tpu.memory_space<vmem>>, vector<1x1x16xf32>,
      %swap3A_1046 = vector.shape_cast %swap3A_1045 : vector<1x1x16xf32> to vector<16xf32>
      %swap3A_1047 = vector.shape_cast %add3A_1039 : vector<16xf32> to vector<1x1x16xf32>
      tpu.vector_store %arg8[%swap3A_1042, %swap3A_1043, %swap3A_1044], %swap3A_1047 {strides = array<i32>} : memref<6x16x1024xf32, #tpu.memory_space<vmem>>, vector<1x1x16xf32>,
      %get3A_1048 = arith.constant 1 : i32
      %get3A_1049 = arith.constant 8 : i32
      %get3A_1050 = arith.index_cast %get3A_1048 : i32 to index
      %get3A_1051 = arith.index_cast %get3A_1049 : i32 to index
      %get3A_1052 = arith.index_cast %mul3A_855 : i32 to index
      %get3A_1053 = tpu.vector_load %arg8[%get3A_1050, %get3A_1051, %get3A_1052] {strides = array<i32>} : memref<6x16x1024xf32, #tpu.memory_space<vmem>>, vector<1x1x16xf32>,
      %get3A_1054 = vector.shape_cast %get3A_1053 : vector<1x1x16xf32> to vector<16xf32>
      %get3A_1055 = arith.constant 3 : i32
      %get3A_1056 = arith.constant 8 : i32
      %get3A_1057 = arith.index_cast %get3A_1055 : i32 to index
      %get3A_1058 = arith.index_cast %get3A_1056 : i32 to index
      %get3A_1059 = arith.index_cast %mul3A_855 : i32 to index
      %get3A_1060 = tpu.vector_load %arg8[%get3A_1057, %get3A_1058, %get3A_1059] {strides = array<i32>} : memref<6x16x1024xf32, #tpu.memory_space<vmem>>, vector<1x1x16xf32>,
      %get3A_1061 = vector.shape_cast %get3A_1060 : vector<1x1x16xf32> to vector<16xf32>
      %mul3A_1062 = arith.mulf %get3A_1061, %gather3A_824 : vector<16xf32>
      %add3A_1063 = arith.addf %get3A_1054, %mul3A_1062 : vector<16xf32>
      %swap3A_1064 = arith.constant 5 : i32
      %swap3A_1065 = arith.constant 8 : i32
      %swap3A_1066 = arith.index_cast %swap3A_1064 : i32 to index
      %swap3A_1067 = arith.index_cast %swap3A_1065 : i32 to index
      %swap3A_1068 = arith.index_cast %mul3A_855 : i32 to index
      %swap3A_1069 = tpu.vector_load %arg8[%swap3A_1066, %swap3A_1067, %swap3A_1068] {strides = array<i32>} : memref<6x16x1024xf32, #tpu.memory_space<vmem>>, vector<1x1x16xf32>,
      %swap3A_1070 = vector.shape_cast %swap3A_1069 : vector<1x1x16xf32> to vector<16xf32>
      %swap3A_1071 = vector.shape_cast %add3A_1063 : vector<16xf32> to vector<1x1x16xf32>
      tpu.vector_store %arg8[%swap3A_1066, %swap3A_1067, %swap3A_1068], %swap3A_1071 {strides = array<i32>} : memref<6x16x1024xf32, #tpu.memory_space<vmem>>, vector<1x1x16xf32>,
      %get3A_1072 = arith.constant 1 : i32
      %get3A_1073 = arith.constant 9 : i32
      %get3A_1074 = arith.index_cast %get3A_1072 : i32 to index
      %get3A_1075 = arith.index_cast %get3A_1073 : i32 to index
      %get3A_1076 = arith.index_cast %mul3A_855 : i32 to index
      %get3A_1077 = tpu.vector_load %arg8[%get3A_1074, %get3A_1075, %get3A_1076] {strides = array<i32>} : memref<6x16x1024xf32, #tpu.memory_space<vmem>>, vector<1x1x16xf32>,
      %get3A_1078 = vector.shape_cast %get3A_1077 : vector<1x1x16xf32> to vector<16xf32>
      %get3A_1079 = arith.constant 3 : i32
      %get3A_1080 = arith.constant 9 : i32
      %get3A_1081 = arith.index_cast %get3A_1079 : i32 to index
      %get3A_1082 = arith.index_cast %get3A_1080 : i32 to index
      %get3A_1083 = arith.index_cast %mul3A_855 : i32 to index
      %get3A_1084 = tpu.vector_load %arg8[%get3A_1081, %get3A_1082, %get3A_1083] {strides = array<i32>} : memref<6x16x1024xf32, #tpu.memory_space<vmem>>, vector<1x1x16xf32>,
      %get3A_1085 = vector.shape_cast %get3A_1084 : vector<1x1x16xf32> to vector<16xf32>
      %mul3A_1086 = arith.mulf %get3A_1085, %gather3A_824 : vector<16xf32>
      %add3A_1087 = arith.addf %get3A_1078, %mul3A_1086 : vector<16xf32>
      %swap3A_1088 = arith.constant 5 : i32
      %swap3A_1089 = arith.constant 9 : i32
      %swap3A_1090 = arith.index_cast %swap3A_1088 : i32 to index
      %swap3A_1091 = arith.index_cast %swap3A_1089 : i32 to index
      %swap3A_1092 = arith.index_cast %mul3A_855 : i32 to index
      %swap3A_1093 = tpu.vector_load %arg8[%swap3A_1090, %swap3A_1091, %swap3A_1092] {strides = array<i32>} : memref<6x16x1024xf32, #tpu.memory_space<vmem>>, vector<1x1x16xf32>,
      %swap3A_1094 = vector.shape_cast %swap3A_1093 : vector<1x1x16xf32> to vector<16xf32>
      %swap3A_1095 = vector.shape_cast %add3A_1087 : vector<16xf32> to vector<1x1x16xf32>
      tpu.vector_store %arg8[%swap3A_1090, %swap3A_1091, %swap3A_1092], %swap3A_1095 {strides = array<i32>} : memref<6x16x1024xf32, #tpu.memory_space<vmem>>, vector<1x1x16xf32>,
      %get3A_1096 = arith.constant 1 : i32
      %get3A_1097 = arith.constant 10 : i32
      %get3A_1098 = arith.index_cast %get3A_1096 : i32 to index
      %get3A_1099 = arith.index_cast %get3A_1097 : i32 to index
      %get3A_1100 = arith.index_cast %mul3A_855 : i32 to index
      %get3A_1101 = tpu.vector_load %arg8[%get3A_1098, %get3A_1099, %get3A_1100] {strides = array<i32>} : memref<6x16x1024xf32, #tpu.memory_space<vmem>>, vector<1x1x16xf32>,
      %get3A_1102 = vector.shape_cast %get3A_1101 : vector<1x1x16xf32> to vector<16xf32>
      %get3A_1103 = arith.constant 3 : i32
      %get3A_1104 = arith.constant 10 : i32
      %get3A_1105 = arith.index_cast %get3A_1103 : i32 to index
      %get3A_1106 = arith.index_cast %get3A_1104 : i32 to index
      %get3A_1107 = arith.index_cast %mul3A_855 : i32 to index
      %get3A_1108 = tpu.vector_load %arg8[%get3A_1105, %get3A_1106, %get3A_1107] {strides = array<i32>} : memref<6x16x1024xf32, #tpu.memory_space<vmem>>, vector<1x1x16xf32>,
      %get3A_1109 = vector.shape_cast %get3A_1108 : vector<1x1x16xf32> to vector<16xf32>
      %mul3A_1110 = arith.mulf %get3A_1109, %gather3A_833 : vector<16xf32>
      %add3A_1111 = arith.addf %get3A_1102, %mul3A_1110 : vector<16xf32>
      %swap3A_1112 = arith.constant 5 : i32
      %swap3A_1113 = arith.constant 10 : i32
      %swap3A_1114 = arith.index_cast %swap3A_1112 : i32 to index
      %swap3A_1115 = arith.index_cast %swap3A_1113 : i32 to index
      %swap3A_1116 = arith.index_cast %mul3A_855 : i32 to index
      %swap3A_1117 = tpu.vector_load %arg8[%swap3A_1114, %swap3A_1115, %swap3A_1116] {strides = array<i32>} : memref<6x16x1024xf32, #tpu.memory_space<vmem>>, vector<1x1x16xf32>,
      %swap3A_1118 = vector.shape_cast %swap3A_1117 : vector<1x1x16xf32> to vector<16xf32>
      %swap3A_1119 = vector.shape_cast %add3A_1111 : vector<16xf32> to vector<1x1x16xf32>
      tpu.vector_store %arg8[%swap3A_1114, %swap3A_1115, %swap3A_1116], %swap3A_1119 {strides = array<i32>} : memref<6x16x1024xf32, #tpu.memory_space<vmem>>, vector<1x1x16xf32>,
      %get3A_1120 = arith.constant 1 : i32
      %get3A_1121 = arith.constant 11 : i32
      %get3A_1122 = arith.index_cast %get3A_1120 : i32 to index
      %get3A_1123 = arith.index_cast %get3A_1121 : i32 to index
      %get3A_1124 = arith.index_cast %mul3A_855 : i32 to index
      %get3A_1125 = tpu.vector_load %arg8[%get3A_1122, %get3A_1123, %get3A_1124] {strides = array<i32>} : memref<6x16x1024xf32, #tpu.memory_space<vmem>>, vector<1x1x16xf32>,
      %get3A_1126 = vector.shape_cast %get3A_1125 : vector<1x1x16xf32> to vector<16xf32>
      %get3A_1127 = arith.constant 3 : i32
      %get3A_1128 = arith.constant 11 : i32
      %get3A_1129 = arith.index_cast %get3A_1127 : i32 to index
      %get3A_1130 = arith.index_cast %get3A_1128 : i32 to index
      %get3A_1131 = arith.index_cast %mul3A_855 : i32 to index
      %get3A_1132 = tpu.vector_load %arg8[%get3A_1129, %get3A_1130, %get3A_1131] {strides = array<i32>} : memref<6x16x1024xf32, #tpu.memory_space<vmem>>, vector<1x1x16xf32>,
      %get3A_1133 = vector.shape_cast %get3A_1132 : vector<1x1x16xf32> to vector<16xf32>
      %mul3A_1134 = arith.mulf %get3A_1133, %gather3A_833 : vector<16xf32>
      %add3A_1135 = arith.addf %get3A_1126, %mul3A_1134 : vector<16xf32>
      %swap3A_1136 = arith.constant 5 : i32
      %swap3A_1137 = arith.constant 11 : i32
      %swap3A_1138 = arith.index_cast %swap3A_1136 : i32 to index
      %swap3A_1139 = arith.index_cast %swap3A_1137 : i32 to index
      %swap3A_1140 = arith.index_cast %mul3A_855 : i32 to index
      %swap3A_1141 = tpu.vector_load %arg8[%swap3A_1138, %swap3A_1139, %swap3A_1140] {strides = array<i32>} : memref<6x16x1024xf32, #tpu.memory_space<vmem>>, vector<1x1x16xf32>,
      %swap3A_1142 = vector.shape_cast %swap3A_1141 : vector<1x1x16xf32> to vector<16xf32>
      %swap3A_1143 = vector.shape_cast %add3A_1135 : vector<16xf32> to vector<1x1x16xf32>
      tpu.vector_store %arg8[%swap3A_1138, %swap3A_1139, %swap3A_1140], %swap3A_1143 {strides = array<i32>} : memref<6x16x1024xf32, #tpu.memory_space<vmem>>, vector<1x1x16xf32>,
      %get3A_1144 = arith.constant 1 : i32
      %get3A_1145 = arith.constant 12 : i32
      %get3A_1146 = arith.index_cast %get3A_1144 : i32 to index
      %get3A_1147 = arith.index_cast %get3A_1145 : i32 to index
      %get3A_1148 = arith.index_cast %mul3A_855 : i32 to index
      %get3A_1149 = tpu.vector_load %arg8[%get3A_1146, %get3A_1147, %get3A_1148] {strides = array<i32>} : memref<6x16x1024xf32, #tpu.memory_space<vmem>>, vector<1x1x16xf32>,
      %get3A_1150 = vector.shape_cast %get3A_1149 : vector<1x1x16xf32> to vector<16xf32>
      %get3A_1151 = arith.constant 3 : i32
      %get3A_1152 = arith.constant 12 : i32
      %get3A_1153 = arith.index_cast %get3A_1151 : i32 to index
      %get3A_1154 = arith.index_cast %get3A_1152 : i32 to index
      %get3A_1155 = arith.index_cast %mul3A_855 : i32 to index
      %get3A_1156 = tpu.vector_load %arg8[%get3A_1153, %get3A_1154, %get3A_1155] {strides = array<i32>} : memref<6x16x1024xf32, #tpu.memory_space<vmem>>, vector<1x1x16xf32>,
      %get3A_1157 = vector.shape_cast %get3A_1156 : vector<1x1x16xf32> to vector<16xf32>
      %mul3A_1158 = arith.mulf %get3A_1157, %gather3A_842 : vector<16xf32>
      %add3A_1159 = arith.addf %get3A_1150, %mul3A_1158 : vector<16xf32>
      %swap3A_1160 = arith.constant 5 : i32
      %swap3A_1161 = arith.constant 12 : i32
      %swap3A_1162 = arith.index_cast %swap3A_1160 : i32 to index
      %swap3A_1163 = arith.index_cast %swap3A_1161 : i32 to index
      %swap3A_1164 = arith.index_cast %mul3A_855 : i32 to index
      %swap3A_1165 = tpu.vector_load %arg8[%swap3A_1162, %swap3A_1163, %swap3A_1164] {strides = array<i32>} : memref<6x16x1024xf32, #tpu.memory_space<vmem>>, vector<1x1x16xf32>,
      %swap3A_1166 = vector.shape_cast %swap3A_1165 : vector<1x1x16xf32> to vector<16xf32>
      %swap3A_1167 = vector.shape_cast %add3A_1159 : vector<16xf32> to vector<1x1x16xf32>
      tpu.vector_store %arg8[%swap3A_1162, %swap3A_1163, %swap3A_1164], %swap3A_1167 {strides = array<i32>} : memref<6x16x1024xf32, #tpu.memory_space<vmem>>, vector<1x1x16xf32>,
      %get3A_1168 = arith.constant 1 : i32
      %get3A_1169 = arith.constant 13 : i32
      %get3A_1170 = arith.index_cast %get3A_1168 : i32 to index
      %get3A_1171 = arith.index_cast %get3A_1169 : i32 to index
      %get3A_1172 = arith.index_cast %mul3A_855 : i32 to index
      %get3A_1173 = tpu.vector_load %arg8[%get3A_1170, %get3A_1171, %get3A_1172] {strides = array<i32>} : memref<6x16x1024xf32, #tpu.memory_space<vmem>>, vector<1x1x16xf32>,
      %get3A_1174 = vector.shape_cast %get3A_1173 : vector<1x1x16xf32> to vector<16xf32>
      %get3A_1175 = arith.constant 3 : i32
      %get3A_1176 = arith.constant 13 : i32
      %get3A_1177 = arith.index_cast %get3A_1175 : i32 to index
      %get3A_1178 = arith.index_cast %get3A_1176 : i32 to index
      %get3A_1179 = arith.index_cast %mul3A_855 : i32 to index
      %get3A_1180 = tpu.vector_load %arg8[%get3A_1177, %get3A_1178, %get3A_1179] {strides = array<i32>} : memref<6x16x1024xf32, #tpu.memory_space<vmem>>, vector<1x1x16xf32>,
      %get3A_1181 = vector.shape_cast %get3A_1180 : vector<1x1x16xf32> to vector<16xf32>
      %mul3A_1182 = arith.mulf %get3A_1181, %gather3A_842 : vector<16xf32>
      %add3A_1183 = arith.addf %get3A_1174, %mul3A_1182 : vector<16xf32>
      %swap3A_1184 = arith.constant 5 : i32
      %swap3A_1185 = arith.constant 13 : i32
      %swap3A_1186 = arith.index_cast %swap3A_1184 : i32 to index
      %swap3A_1187 = arith.index_cast %swap3A_1185 : i32 to index
      %swap3A_1188 = arith.index_cast %mul3A_855 : i32 to index
      %swap3A_1189 = tpu.vector_load %arg8[%swap3A_1186, %swap3A_1187, %swap3A_1188] {strides = array<i32>} : memref<6x16x1024xf32, #tpu.memory_space<vmem>>, vector<1x1x16xf32>,
      %swap3A_1190 = vector.shape_cast %swap3A_1189 : vector<1x1x16xf32> to vector<16xf32>
      %swap3A_1191 = vector.shape_cast %add3A_1183 : vector<16xf32> to vector<1x1x16xf32>
      tpu.vector_store %arg8[%swap3A_1186, %swap3A_1187, %swap3A_1188], %swap3A_1191 {strides = array<i32>} : memref<6x16x1024xf32, #tpu.memory_space<vmem>>, vector<1x1x16xf32>,
      %get3A_1192 = arith.constant 1 : i32
      %get3A_1193 = arith.constant 14 : i32
      %get3A_1194 = arith.index_cast %get3A_1192 : i32 to index
      %get3A_1195 = arith.index_cast %get3A_1193 : i32 to index
      %get3A_1196 = arith.index_cast %mul3A_855 : i32 to index
      %get3A_1197 = tpu.vector_load %arg8[%get3A_1194, %get3A_1195, %get3A_1196] {strides = array<i32>} : memref<6x16x1024xf32, #tpu.memory_space<vmem>>, vector<1x1x16xf32>,
      %get3A_1198 = vector.shape_cast %get3A_1197 : vector<1x1x16xf32> to vector<16xf32>
      %get3A_1199 = arith.constant 3 : i32
      %get3A_1200 = arith.constant 14 : i32
      %get3A_1201 = arith.index_cast %get3A_1199 : i32 to index
      %get3A_1202 = arith.index_cast %get3A_1200 : i32 to index
      %get3A_1203 = arith.index_cast %mul3A_855 : i32 to index
      %get3A_1204 = tpu.vector_load %arg8[%get3A_1201, %get3A_1202, %get3A_1203] {strides = array<i32>} : memref<6x16x1024xf32, #tpu.memory_space<vmem>>, vector<1x1x16xf32>,
      %get3A_1205 = vector.shape_cast %get3A_1204 : vector<1x1x16xf32> to vector<16xf32>
      %mul3A_1206 = arith.mulf %get3A_1205, %gather3A_851 : vector<16xf32>
      %add3A_1207 = arith.addf %get3A_1198, %mul3A_1206 : vector<16xf32>
      %swap3A_1208 = arith.constant 5 : i32
      %swap3A_1209 = arith.constant 14 : i32
      %swap3A_1210 = arith.index_cast %swap3A_1208 : i32 to index
      %swap3A_1211 = arith.index_cast %swap3A_1209 : i32 to index
      %swap3A_1212 = arith.index_cast %mul3A_855 : i32 to index
      %swap3A_1213 = tpu.vector_load %arg8[%swap3A_1210, %swap3A_1211, %swap3A_1212] {strides = array<i32>} : memref<6x16x1024xf32, #tpu.memory_space<vmem>>, vector<1x1x16xf32>,
      %swap3A_1214 = vector.shape_cast %swap3A_1213 : vector<1x1x16xf32> to vector<16xf32>
      %swap3A_1215 = vector.shape_cast %add3A_1207 : vector<16xf32> to vector<1x1x16xf32>
      tpu.vector_store %arg8[%swap3A_1210, %swap3A_1211, %swap3A_1212], %swap3A_1215 {strides = array<i32>} : memref<6x16x1024xf32, #tpu.memory_space<vmem>>, vector<1x1x16xf32>,
      %get3A_1216 = arith.constant 1 : i32
      %get3A_1217 = arith.constant 15 : i32
      %get3A_1218 = arith.index_cast %get3A_1216 : i32 to index
      %get3A_1219 = arith.index_cast %get3A_1217 : i32 to index
      %get3A_1220 = arith.index_cast %mul3A_855 : i32 to index
      %get3A_1221 = tpu.vector_load %arg8[%get3A_1218, %get3A_1219, %get3A_1220] {strides = array<i32>} : memref<6x16x1024xf32, #tpu.memory_space<vmem>>, vector<1x1x16xf32>,
      %get3A_1222 = vector.shape_cast %get3A_1221 : vector<1x1x16xf32> to vector<16xf32>
      %get3A_1223 = arith.constant 3 : i32
      %get3A_1224 = arith.constant 15 : i32
      %get3A_1225 = arith.index_cast %get3A_1223 : i32 to index
      %get3A_1226 = arith.index_cast %get3A_1224 : i32 to index
      %get3A_1227 = arith.index_cast %mul3A_855 : i32 to index
      %get3A_1228 = tpu.vector_load %arg8[%get3A_1225, %get3A_1226, %get3A_1227] {strides = array<i32>} : memref<6x16x1024xf32, #tpu.memory_space<vmem>>, vector<1x1x16xf32>,
      %get3A_1229 = vector.shape_cast %get3A_1228 : vector<1x1x16xf32> to vector<16xf32>
      %mul3A_1230 = arith.mulf %get3A_1229, %gather3A_851 : vector<16xf32>
      %add3A_1231 = arith.addf %get3A_1222, %mul3A_1230 : vector<16xf32>
      %swap3A_1232 = arith.constant 5 : i32
      %swap3A_1233 = arith.constant 15 : i32
      %swap3A_1234 = arith.index_cast %swap3A_1232 : i32 to index
      %swap3A_1235 = arith.index_cast %swap3A_1233 : i32 to index
      %swap3A_1236 = arith.index_cast %mul3A_855 : i32 to index
      %swap3A_1237 = tpu.vector_load %arg8[%swap3A_1234, %swap3A_1235, %swap3A_1236] {strides = array<i32>} : memref<6x16x1024xf32, #tpu.memory_space<vmem>>, vector<1x1x16xf32>,
      %swap3A_1238 = vector.shape_cast %swap3A_1237 : vector<1x1x16xf32> to vector<16xf32>
      %swap3A_1239 = vector.shape_cast %add3A_1231 : vector<16xf32> to vector<1x1x16xf32>
      tpu.vector_store %arg8[%swap3A_1234, %swap3A_1235, %swap3A_1236], %swap3A_1239 {strides = array<i32>} : memref<6x16x1024xf32, #tpu.memory_space<vmem>>, vector<1x1x16xf32>,
      %scan3A_1240 = arith.constant 1 : i32
      %mul3A_1241 = arith.constant 16 : i32
      %mul3A_1242 = arith.muli %add3A_729, %mul3A_1241 : i32
      %add3A_1243 = arith.addi %mul3A_4, %mul3A_1242 : i32
      %dma_start3A_1244 = arith.constant 5 : i32
      %dma_start3A_1245 = arith.constant 0 : i32
      %dma_start3A_1246 = arith.constant 0 : i32
      %dma_start3A_1247 = tpu.memref_slice %arg8[%dma_start3A_1244, %dma_start3A_1245, %dma_start3A_1246] : memref<6x16x1024xf32, #tpu.memory_space<vmem>> -> memref<1x16x1024xf32, #tpu.memory_space<vmem>>
      %dma_start3A_1248 = tpu.memref_squeeze %dma_start3A_1247 : memref<1x16x1024xf32, #tpu.memory_space<vmem>> -> memref<16x1024xf32, #tpu.memory_space<vmem>>
      %dma_start3A_1249 = arith.constant 0 : i32
      %dma_start3A_1250 = tpu.memref_slice %arg5[%add3A_1243, %dma_start3A_1249] : memref<8192x1024xf32, #tpu.memory_space<hbm>> -> memref<16x1024xf32, #tpu.memory_space<hbm>>
      %dma_start3A_1251 = arith.constant 0 : i32
      %dma_start3A_1252 = tpu.memref_slice %arg5[%add3A_1243, %dma_start3A_1251] : memref<8192x1024xf32, #tpu.memory_space<hbm>> -> memref<16x1024xf32, #tpu.memory_space<hbm>>
      %dma_start3A_1253 = arith.constant 0 : i32
      %dma_start3A_1254 = arith.constant 0 : i32
      %dma_start3A_1255 = tpu.memref_slice %arg8[%dma_start3A_1244, %dma_start3A_1253, %dma_start3A_1254] : memref<6x16x1024xf32, #tpu.memory_space<vmem>> -> memref<1x16x1024xf32, #tpu.memory_space<vmem>>
      %dma_start3A_1256 = tpu.memref_squeeze %dma_start3A_1255 : memref<1x16x1024xf32, #tpu.memory_space<vmem>> -> memref<16x1024xf32, #tpu.memory_space<vmem>>
      tpu.enqueue_dma source(%dma_start3A_1256 : memref<16x1024xf32, #tpu.memory_space<vmem>>) target(%dma_start3A_1252 : memref<16x1024xf32, #tpu.memory_space<hbm>>) target_semaphore(%arg15 : memref<!tpu.dma_semaphore, #tpu.memory_space<semaphore_mem>>)
      %add3A_1257 = arith.constant 2 : i32
      %add3A_1258 = arith.addi %add3A_729, %add3A_1257 : i32
      %min3A_1259 = arith.constant 15 : i32
      %min3A_1260 = arith.minsi %add3A_1258, %min3A_1259 : i32
      %mul3A_1261 = arith.constant 16 : i32
      %mul3A_1262 = arith.muli %min3A_1260, %mul3A_1261 : i32
      %add3A_1263 = arith.addi %mul3A_4, %mul3A_1262 : i32
      %dma_start3A_1264 = arith.constant 1 : i32
      %dma_start3A_1265 = arith.constant 0 : i32
      %dma_start3A_1266 = arith.constant 0 : i32
      %dma_start3A_1267 = tpu.memref_slice %arg8[%dma_start3A_1264, %dma_start3A_1265, %dma_start3A_1266] : memref<6x16x1024xf32, #tpu.memory_space<vmem>> -> memref<1x16x1024xf32, #tpu.memory_space<vmem>>
      %dma_start3A_1268 = tpu.memref_squeeze %dma_start3A_1267 : memref<1x16x1024xf32, #tpu.memory_space<vmem>> -> memref<16x1024xf32, #tpu.memory_space<vmem>>
      %dma_start3A_1269 = arith.constant 0 : i32
      %dma_start3A_1270 = tpu.memref_slice %arg2[%add3A_1263, %dma_start3A_1269] : memref<8192x1024xf32, #tpu.memory_space<hbm>> -> memref<16x1024xf32, #tpu.memory_space<hbm>>
      %dma_start3A_1271 = arith.constant 0 : i32
      %dma_start3A_1272 = arith.constant 0 : i32
      %dma_start3A_1273 = tpu.memref_slice %arg8[%dma_start3A_1264, %dma_start3A_1271, %dma_start3A_1272] : memref<6x16x1024xf32, #tpu.memory_space<vmem>> -> memref<1x16x1024xf32, #tpu.memory_space<vmem>>
      %dma_start3A_1274 = tpu.memref_squeeze %dma_start3A_1273 : memref<1x16x1024xf32, #tpu.memory_space<vmem>> -> memref<16x1024xf32, #tpu.memory_space<vmem>>
      %dma_start3A_1275 = arith.constant 0 : i32
      %dma_start3A_1276 = tpu.memref_slice %arg2[%add3A_1263, %dma_start3A_1275] : memref<8192x1024xf32, #tpu.memory_space<hbm>> -> memref<16x1024xf32, #tpu.memory_space<hbm>>
      tpu.enqueue_dma source(%dma_start3A_1276 : memref<16x1024xf32, #tpu.memory_space<hbm>>) target(%dma_start3A_1274 : memref<16x1024xf32, #tpu.memory_space<vmem>>) target_semaphore(%arg11 : memref<!tpu.dma_semaphore, #tpu.memory_space<semaphore_mem>>)
      %dma_start3A_1277 = arith.constant 3 : i32
      %dma_start3A_1278 = arith.constant 0 : i32
      %dma_start3A_1279 = arith.constant 0 : i32
      %dma_start3A_1280 = tpu.memref_slice %arg8[%dma_start3A_1277, %dma_start3A_1278, %dma_start3A_1279] : memref<6x16x1024xf32, #tpu.memory_space<vmem>> -> memref<1x16x1024xf32, #tpu.memory_space<vmem>>
      %dma_start3A_1281 = tpu.memref_squeeze %dma_start3A_1280 : memref<1x16x1024xf32, #tpu.memory_space<vmem>> -> memref<16x1024xf32, #tpu.memory_space<vmem>>
      %dma_start3A_1282 = arith.constant 0 : i32
      %dma_start3A_1283 = tpu.memref_slice %arg3[%add3A_1263, %dma_start3A_1282] : memref<8192x1024xf32, #tpu.memory_space<hbm>> -> memref<16x1024xf32, #tpu.memory_space<hbm>>
      %dma_start3A_1284 = arith.constant 0 : i32
      %dma_start3A_1285 = arith.constant 0 : i32
      %dma_start3A_1286 = tpu.memref_slice %arg8[%dma_start3A_1277, %dma_start3A_1284, %dma_start3A_1285] : memref<6x16x1024xf32, #tpu.memory_space<vmem>> -> memref<1x16x1024xf32, #tpu.memory_space<vmem>>
      %dma_start3A_1287 = tpu.memref_squeeze %dma_start3A_1286 : memref<1x16x1024xf32, #tpu.memory_space<vmem>> -> memref<16x1024xf32, #tpu.memory_space<vmem>>
      %dma_start3A_1288 = arith.constant 0 : i32
      %dma_start3A_1289 = tpu.memref_slice %arg3[%add3A_1263, %dma_start3A_1288] : memref<8192x1024xf32, #tpu.memory_space<hbm>> -> memref<16x1024xf32, #tpu.memory_space<hbm>>
      tpu.enqueue_dma source(%dma_start3A_1289 : memref<16x1024xf32, #tpu.memory_space<hbm>>) target(%dma_start3A_1287 : memref<16x1024xf32, #tpu.memory_space<vmem>>) target_semaphore(%arg13 : memref<!tpu.dma_semaphore, #tpu.memory_space<semaphore_mem>>)
    }
    %scan3A_77 = arith.constant 8 : i32
    %dma_wait3A = arith.constant 0 : i32
    %dma_wait3A_78 = arith.constant 0 : i32
    %dma_wait3A_79 = arith.constant 0 : i32
    %dma_wait3A_80 = tpu.memref_slice %arg8[%dma_wait3A, %dma_wait3A_78, %dma_wait3A_79] : memref<6x16x1024xf32, #tpu.memory_space<vmem>> -> memref<1x16x1024xf32, #tpu.memory_space<vmem>>
    %dma_wait3A_81 = tpu.memref_squeeze %dma_wait3A_80 : memref<1x16x1024xf32, #tpu.memory_space<vmem>> -> memref<16x1024xf32, #tpu.memory_space<vmem>>
    %dma_wait3A_82 = arith.constant 0 : i32
    %dma_wait3A_83 = arith.constant 0 : i32
    %dma_wait3A_84 = tpu.memref_slice %arg2[%dma_wait3A_82, %dma_wait3A_83] : memref<8192x1024xf32, #tpu.memory_space<hbm>> -> memref<16x1024xf32, #tpu.memory_space<hbm>>
    %dma_wait3A_85 = arith.constant 0 : i32
    %dma_wait3A_86 = arith.constant 0 : i32
    %dma_wait3A_87 = tpu.memref_slice %arg8[%dma_wait3A, %dma_wait3A_85, %dma_wait3A_86] : memref<6x16x1024xf32, #tpu.memory_space<vmem>> -> memref<1x16x1024xf32, #tpu.memory_space<vmem>>
    %dma_wait3A_88 = tpu.memref_squeeze %dma_wait3A_87 : memref<1x16x1024xf32, #tpu.memory_space<vmem>> -> memref<16x1024xf32, #tpu.memory_space<vmem>>
    %dma_wait3A_89 = arith.constant 0 : i32
    %dma_wait3A_90 = arith.constant 0 : i32
    %dma_wait3A_91 = tpu.memref_slice %arg2[%dma_wait3A_89, %dma_wait3A_90] : memref<8192x1024xf32, #tpu.memory_space<hbm>> -> memref<16x1024xf32, #tpu.memory_space<hbm>>
    tpu.wait_dma2 semaphore(%arg10 : memref<!tpu.dma_semaphore, #tpu.memory_space<semaphore_mem>>) src(%dma_wait3A_91 : memref<16x1024xf32, #tpu.memory_space<hbm>>) dst(%dma_wait3A_88 : memref<16x1024xf32, #tpu.memory_space<vmem>>)
    %dma_wait3A_92 = arith.constant 2 : i32
    %dma_wait3A_93 = arith.constant 0 : i32
    %dma_wait3A_94 = arith.constant 0 : i32
    %dma_wait3A_95 = tpu.memref_slice %arg8[%dma_wait3A_92, %dma_wait3A_93, %dma_wait3A_94] : memref<6x16x1024xf32, #tpu.memory_space<vmem>> -> memref<1x16x1024xf32, #tpu.memory_space<vmem>>
    %dma_wait3A_96 = tpu.memref_squeeze %dma_wait3A_95 : memref<1x16x1024xf32, #tpu.memory_space<vmem>> -> memref<16x1024xf32, #tpu.memory_space<vmem>>
    %dma_wait3A_97 = arith.constant 0 : i32
    %dma_wait3A_98 = arith.constant 0 : i32
    %dma_wait3A_99 = tpu.memref_slice %arg3[%dma_wait3A_97, %dma_wait3A_98] : memref<8192x1024xf32, #tpu.memory_space<hbm>> -> memref<16x1024xf32, #tpu.memory_space<hbm>>
    %dma_wait3A_100 = arith.constant 0 : i32
    %dma_wait3A_101 = arith.constant 0 : i32
    %dma_wait3A_102 = tpu.memref_slice %arg8[%dma_wait3A_92, %dma_wait3A_100, %dma_wait3A_101] : memref<6x16x1024xf32, #tpu.memory_space<vmem>> -> memref<1x16x1024xf32, #tpu.memory_space<vmem>>
    %dma_wait3A_103 = tpu.memref_squeeze %dma_wait3A_102 : memref<1x16x1024xf32, #tpu.memory_space<vmem>> -> memref<16x1024xf32, #tpu.memory_space<vmem>>
    %dma_wait3A_104 = arith.constant 0 : i32
    %dma_wait3A_105 = arith.constant 0 : i32
    %dma_wait3A_106 = tpu.memref_slice %arg3[%dma_wait3A_104, %dma_wait3A_105] : memref<8192x1024xf32, #tpu.memory_space<hbm>> -> memref<16x1024xf32, #tpu.memory_space<hbm>>
    tpu.wait_dma2 semaphore(%arg12 : memref<!tpu.dma_semaphore, #tpu.memory_space<semaphore_mem>>) src(%dma_wait3A_106 : memref<16x1024xf32, #tpu.memory_space<hbm>>) dst(%dma_wait3A_103 : memref<16x1024xf32, #tpu.memory_space<vmem>>)
    %dma_wait3A_107 = arith.constant 4 : i32
    %dma_wait3A_108 = arith.constant 0 : i32
    %dma_wait3A_109 = arith.constant 0 : i32
    %dma_wait3A_110 = tpu.memref_slice %arg8[%dma_wait3A_107, %dma_wait3A_108, %dma_wait3A_109] : memref<6x16x1024xf32, #tpu.memory_space<vmem>> -> memref<1x16x1024xf32, #tpu.memory_space<vmem>>
    %dma_wait3A_111 = tpu.memref_squeeze %dma_wait3A_110 : memref<1x16x1024xf32, #tpu.memory_space<vmem>> -> memref<16x1024xf32, #tpu.memory_space<vmem>>
    %dma_wait3A_112 = arith.constant 0 : i32
    %dma_wait3A_113 = arith.constant 0 : i32
    %dma_wait3A_114 = tpu.memref_slice %arg5[%dma_wait3A_112, %dma_wait3A_113] : memref<8192x1024xf32, #tpu.memory_space<hbm>> -> memref<16x1024xf32, #tpu.memory_space<hbm>>
    %dma_wait3A_115 = arith.constant 0 : i32
    %dma_wait3A_116 = arith.constant 0 : i32
    %dma_wait3A_117 = tpu.memref_slice %arg5[%dma_wait3A_115, %dma_wait3A_116] : memref<8192x1024xf32, #tpu.memory_space<hbm>> -> memref<16x1024xf32, #tpu.memory_space<hbm>>
    %dma_wait3A_118 = arith.constant 0 : i32
    %dma_wait3A_119 = arith.constant 0 : i32
    %dma_wait3A_120 = tpu.memref_slice %arg8[%dma_wait3A_107, %dma_wait3A_118, %dma_wait3A_119] : memref<6x16x1024xf32, #tpu.memory_space<vmem>> -> memref<1x16x1024xf32, #tpu.memory_space<vmem>>
    %dma_wait3A_121 = tpu.memref_squeeze %dma_wait3A_120 : memref<1x16x1024xf32, #tpu.memory_space<vmem>> -> memref<16x1024xf32, #tpu.memory_space<vmem>>
    tpu.wait_dma2 semaphore(%arg14 : memref<!tpu.dma_semaphore, #tpu.memory_space<semaphore_mem>>) src(%dma_wait3A_121 : memref<16x1024xf32, #tpu.memory_space<vmem>>) dst(%dma_wait3A_117 : memref<16x1024xf32, #tpu.memory_space<hbm>>)
    %dma_wait3A_122 = arith.constant 1 : i32
    %dma_wait3A_123 = arith.constant 0 : i32
    %dma_wait3A_124 = arith.constant 0 : i32
    %dma_wait3A_125 = tpu.memref_slice %arg8[%dma_wait3A_122, %dma_wait3A_123, %dma_wait3A_124] : memref<6x16x1024xf32, #tpu.memory_space<vmem>> -> memref<1x16x1024xf32, #tpu.memory_space<vmem>>
    %dma_wait3A_126 = tpu.memref_squeeze %dma_wait3A_125 : memref<1x16x1024xf32, #tpu.memory_space<vmem>> -> memref<16x1024xf32, #tpu.memory_space<vmem>>
    %dma_wait3A_127 = arith.constant 0 : i32
    %dma_wait3A_128 = arith.constant 0 : i32
    %dma_wait3A_129 = tpu.memref_slice %arg2[%dma_wait3A_127, %dma_wait3A_128] : memref<8192x1024xf32, #tpu.memory_space<hbm>> -> memref<16x1024xf32, #tpu.memory_space<hbm>>
    %dma_wait3A_130 = arith.constant 0 : i32
    %dma_wait3A_131 = arith.constant 0 : i32
    %dma_wait3A_132 = tpu.memref_slice %arg8[%dma_wait3A_122, %dma_wait3A_130, %dma_wait3A_131] : memref<6x16x1024xf32, #tpu.memory_space<vmem>> -> memref<1x16x1024xf32, #tpu.memory_space<vmem>>
    %dma_wait3A_133 = tpu.memref_squeeze %dma_wait3A_132 : memref<1x16x1024xf32, #tpu.memory_space<vmem>> -> memref<16x1024xf32, #tpu.memory_space<vmem>>
    %dma_wait3A_134 = arith.constant 0 : i32
    %dma_wait3A_135 = arith.constant 0 : i32
    %dma_wait3A_136 = tpu.memref_slice %arg2[%dma_wait3A_134, %dma_wait3A_135] : memref<8192x1024xf32, #tpu.memory_space<hbm>> -> memref<16x1024xf32, #tpu.memory_space<hbm>>
    tpu.wait_dma2 semaphore(%arg11 : memref<!tpu.dma_semaphore, #tpu.memory_space<semaphore_mem>>) src(%dma_wait3A_136 : memref<16x1024xf32, #tpu.memory_space<hbm>>) dst(%dma_wait3A_133 : memref<16x1024xf32, #tpu.memory_space<vmem>>)
    %dma_wait3A_137 = arith.constant 3 : i32
    %dma_wait3A_138 = arith.constant 0 : i32
    %dma_wait3A_139 = arith.constant 0 : i32
    %dma_wait3A_140 = tpu.memref_slice %arg8[%dma_wait3A_137, %dma_wait3A_138, %dma_wait3A_139] : memref<6x16x1024xf32, #tpu.memory_space<vmem>> -> memref<1x16x1024xf32, #tpu.memory_space<vmem>>
    %dma_wait3A_141 = tpu.memref_squeeze %dma_wait3A_140 : memref<1x16x1024xf32, #tpu.memory_space<vmem>> -> memref<16x1024xf32, #tpu.memory_space<vmem>>
    %dma_wait3A_142 = arith.constant 0 : i32
    %dma_wait3A_143 = arith.constant 0 : i32
    %dma_wait3A_144 = tpu.memref_slice %arg3[%dma_wait3A_142, %dma_wait3A_143] : memref<8192x1024xf32, #tpu.memory_space<hbm>> -> memref<16x1024xf32, #tpu.memory_space<hbm>>
    %dma_wait3A_145 = arith.constant 0 : i32
    %dma_wait3A_146 = arith.constant 0 : i32
    %dma_wait3A_147 = tpu.memref_slice %arg8[%dma_wait3A_137, %dma_wait3A_145, %dma_wait3A_146] : memref<6x16x1024xf32, #tpu.memory_space<vmem>> -> memref<1x16x1024xf32, #tpu.memory_space<vmem>>
    %dma_wait3A_148 = tpu.memref_squeeze %dma_wait3A_147 : memref<1x16x1024xf32, #tpu.memory_space<vmem>> -> memref<16x1024xf32, #tpu.memory_space<vmem>>
    %dma_wait3A_149 = arith.constant 0 : i32
    %dma_wait3A_150 = arith.constant 0 : i32
    %dma_wait3A_151 = tpu.memref_slice %arg3[%dma_wait3A_149, %dma_wait3A_150] : memref<8192x1024xf32, #tpu.memory_space<hbm>> -> memref<16x1024xf32, #tpu.memory_space<hbm>>
    tpu.wait_dma2 semaphore(%arg13 : memref<!tpu.dma_semaphore, #tpu.memory_space<semaphore_mem>>) src(%dma_wait3A_151 : memref<16x1024xf32, #tpu.memory_space<hbm>>) dst(%dma_wait3A_148 : memref<16x1024xf32, #tpu.memory_space<vmem>>)
    %dma_wait3A_152 = arith.constant 5 : i32
    %dma_wait3A_153 = arith.constant 0 : i32
    %dma_wait3A_154 = arith.constant 0 : i32
    %dma_wait3A_155 = tpu.memref_slice %arg8[%dma_wait3A_152, %dma_wait3A_153, %dma_wait3A_154] : memref<6x16x1024xf32, #tpu.memory_space<vmem>> -> memref<1x16x1024xf32, #tpu.memory_space<vmem>>
    %dma_wait3A_156 = tpu.memref_squeeze %dma_wait3A_155 : memref<1x16x1024xf32, #tpu.memory_space<vmem>> -> memref<16x1024xf32, #tpu.memory_space<vmem>>
    %dma_wait3A_157 = arith.constant 0 : i32
    %dma_wait3A_158 = arith.constant 0 : i32
    %dma_wait3A_159 = tpu.memref_slice %arg5[%dma_wait3A_157, %dma_wait3A_158] : memref<8192x1024xf32, #tpu.memory_space<hbm>> -> memref<16x1024xf32, #tpu.memory_space<hbm>>
    %dma_wait3A_160 = arith.constant 0 : i32
    %dma_wait3A_161 = arith.constant 0 : i32
    %dma_wait3A_162 = tpu.memref_slice %arg5[%dma_wait3A_160, %dma_wait3A_161] : memref<8192x1024xf32, #tpu.memory_space<hbm>> -> memref<16x1024xf32, #tpu.memory_space<hbm>>
    %dma_wait3A_163 = arith.constant 0 : i32
    %dma_wait3A_164 = arith.constant 0 : i32
    %dma_wait3A_165 = tpu.memref_slice %arg8[%dma_wait3A_152, %dma_wait3A_163, %dma_wait3A_164] : memref<6x16x1024xf32, #tpu.memory_space<vmem>> -> memref<1x16x1024xf32, #tpu.memory_space<vmem>>
    %dma_wait3A_166 = tpu.memref_squeeze %dma_wait3A_165 : memref<1x16x1024xf32, #tpu.memory_space<vmem>> -> memref<16x1024xf32, #tpu.memory_space<vmem>>
    tpu.wait_dma2 semaphore(%arg15 : memref<!tpu.dma_semaphore, #tpu.memory_space<semaphore_mem>>) src(%dma_wait3A_166 : memref<16x1024xf32, #tpu.memory_space<vmem>>) dst(%dma_wait3A_162 : memref<16x1024xf32, #tpu.memory_space<hbm>>)
    return
  }
}

</mosaic_0001>

<sc_bundles>
// kernel: kernel.3.cloned.1.call-start
scs
__scs_entry_jumppad:
0x0: {  	(pc) =	sbr.rel $0x88, $3  }
0x1: {  	(tag) =	ssettag $0x0;
	lr =	simm.s32 $0x1  }
0x2: {  	[smem:$0x3F9E] =	sst lr;
	_ =	strace $0xD0000000  }
0x3: {  	_ = 	snop  }
0x4: {  	_ = 	snop  }
0x5: {  	_ = 	snop  }
0x6: {  	_ = 	snop  }
0x7: {  	_ = 	snop  }
__scs_overlays_trampoline_lowered:
0x8: {  	[smem:$0x3FAD] =	sst s0  }
0x9: {  	[smem:$0x3FAE] =	sst s1  }
0xa: {  	[smem:$0x3FAF] =	sst s2  }
0xb: {  	[smem:$0x3FB0] =	sst s3  }
0xc: {  	[smem:$0x3FB1] =	sst s4  }
0xd: {  	[smem:$0x3FB2] =	sst s5  }
0xe: {  	[smem:$0x3FB3] =	sst s6  }
0xf: {  	[smem:$0x3FB4] =	sst s7  }
0x10: {  	[smem:$0x3FB5] =	sst s8  }
0x11: {  	[smem:$0x3FB6] =	sst s9;
	s0 =	simm.s32 @!p0 $0x0  }
0x12: {  	s1 =	sld [smem:$0x3F9C];
	s0 =	simm.s32 @p0 $0x1  }
0x13: {  	[smem:$0x3FB7] =	sst s0;
	s0 =	simm.s32 @!p1 $0x0  }
0x14: {  	s2 =	sld [smem:$0x3F9B];
	s0 =	simm.s32 @p1 $0x1  }
0x15: {  	[smem:$0x3FB8] =	sst s0;
	s0 =	simm.s32 @!p2 $0x0  }
0x16: {  	s3 =	sld [smem:$0x3FDB];
	s0 =	simm.s32 @p2 $0x1  }
0x17: {  	s4 =	simm.s32 $0x1BF5;
	[smem:$0x3FBA] =	sst s0  }
0x18: {  	s0 =	sld [smem:$0x3F9D];
	_ =	swait.ge [sflag:s4], $0x0  }
0x19: {  	s7 =	sld [smem:$0x3F9E]  }
0x1a: {  	s8 =	sadd.s32 $0xFFFFE003, lr  }
0x1b: {  	s9 =	sadd.s32 $0xFFFFFEF7, lr;
	s5 =	simm.s32 $0xFFFFFFFF;
	p2 =	slt.u32 s8, $0xFFFFF086  }
0x1c: {  	p1 =	slt.u32 s9, $0xF7A;
	s5 =	simm.s32 @!p2 $0x0  }
0x1d: {  	s5 =	simm.s32 @p1 $0x1;
	p0 =	seq.s32 s7, s2  }
0x1e: {  	s7 =	smul.u32 @!p0 $0xF7A, s2;
	p2 =	seq.s32 @!p0 s5, $0x0  }
0x1f: {  	s9 =	smul.u32 $0xF7A, s1;
	s8 =	simm.s32 @!p0 $0x1BF5;
	p2 =	por !p2, p0  }
0x20: {  	[sflag:s8] =	ssyncset.s32 @!p0 $0xFFFFF086;
	s6 =	sadd.s32 @!p0 s3, s7;
	s7 =	simm.s32 @!p0 $0x108  }
0x21: {  	s3 =	sadd.s32 s3, s9;
	s6 =	sadd.s32 @!p0 $0x88, s6;
	s7 =	simm.s32 @p2 $0x1082  }
0x22: {  	[simem:s7], [sflag:s8] =	dma.local @!p0 [hbm:s6], $0xF7A  }
0x23: {  	s9 =	sor.u32 $0xD0000000, s2;
	s6 =	simm.s32 $0x108;
	_ =	swait.ge @!p0 [sflag:s8], $0x0  }
0x24: {  	s3 =	sadd.s32 $0x88, s3;
	s6 =	simm.s32 @!p1 $0x1082;
	[sflag:s4] =	ssyncset.s32 $0xFFFFF086  }
0x25: {  	[simem:s6], [sflag:s4] =	dma.local [hbm:s3], $0xF7A  }
0x26: {  	[smem:$0x3F9E] =	sst s1;
	(tag) =	ssettag s2;
	_ =	strace s9  }
0x27: {  	s1 =	sld [smem:$0x3FAE]  }
0x28: {  	s2 =	sld [smem:$0x3FAF]  }
0x29: {  	s4 =	sld [smem:$0x3FB1]  }
0x2a: {  	p0 =	seq.s32 s5, $0x0;
	s5 =	sld [smem:$0x3FB2]  }
0x2b: {  	s6 =	sld [smem:$0x3FB3]  }
0x2c: {  	s7 =	sld [smem:$0x3FB4]  }
0x2d: {  	s3 =	simm.s32 $0x108;
	s8 =	sld [smem:$0x3FB5]  }
0x2e: {  	s3 =	simm.s32 @!p0 $0x1082;
	s9 =	sld [smem:$0x3FB6]  }
0x2f: {  	lr =	sadd.s32 s0, s3;
	s0 =	sld [smem:$0x3FAD]  }
0x30: {  	s3 =	sld [smem:$0x3FB0]  }
0x31: {  	[smem:$0x3FB9] =	sst s10  }
0x32: {  	s10 =	sld [smem:$0x3FB7];
	_ =	sdelay $0x3  }
0x33: {  	p0 =	seq.s32 s10, $0x1;
	s10 =	sld [smem:$0x3FB9];
	_ =	sdelay $0x3  }
0x34: {  	[smem:$0x3FB9] =	sst s10  }
0x35: {  	s10 =	sld [smem:$0x3FB8];
	_ =	sdelay $0x3  }
0x36: {  	p1 =	seq.s32 s10, $0x1;
	s10 =	sld [smem:$0x3FB9];
	_ =	sdelay $0x3  }
0x37: {  	[smem:$0x3FB9] =	sst s10  }
0x38: {  	s10 =	sld [smem:$0x3FBA]  }
0x39: {  	_ = 	snop;
	(pc) =	sbr.ind lr, $3  }
0x3a: {  	_ = 	snop  }
0x3b: {  	_ = 	snop  }
0x3c: {  	p2 =	seq.s32 s10, $0x1;
	s10 =	sld [smem:$0x3FB9]  }
0x3d: {  	_ =	shalt  }
0x3e: {  	_ =	shalt  }
0x3f: {  	_ =	shalt  }
0x40: {  	_ =	shalt  }
0x41: {  	_ =	shalt  }
0x42: {  	_ =	shalt  }
0x43: {  	_ =	shalt  }
0x44: {  	_ =	shalt  }
0x45: {  	_ =	shalt  }
0x46: {  	_ =	shalt  }
0x47: {  	_ =	shalt  }
0x48: {  	_ =	shalt  }
0x49: {  	_ =	shalt  }
0x4a: {  	_ =	shalt  }
0x4b: {  	_ =	shalt  }
0x4c: {  	_ =	shalt  }
0x4d: {  	_ =	shalt  }
0x4e: {  	_ =	shalt  }
0x4f: {  	_ =	shalt  }
0x50: {  	_ =	shalt  }
0x51: {  	_ =	shalt  }
0x52: {  	_ =	shalt  }
0x53: {  	_ =	shalt  }
0x54: {  	_ =	shalt  }
0x55: {  	_ =	shalt  }
0x56: {  	_ =	shalt  }
0x57: {  	_ =	shalt  }
0x58: {  	_ =	shalt  }
0x59: {  	_ =	shalt  }
0x5a: {  	_ =	shalt  }
0x5b: {  	_ =	shalt  }
0x5c: {  	_ =	shalt  }
0x5d: {  	_ =	shalt  }
0x5e: {  	_ =	shalt  }
0x5f: {  	_ =	shalt  }
0x60: {  	_ =	shalt  }
0x61: {  	_ =	shalt  }
0x62: {  	_ =	shalt  }
0x63: {  	_ =	shalt  }
0x64: {  	_ =	shalt  }
0x65: {  	_ =	shalt  }
0x66: {  	_ =	shalt  }
0x67: {  	_ =	shalt  }
0x68: {  	_ =	shalt  }
0x69: {  	_ =	shalt  }
0x6a: {  	_ =	shalt  }
0x6b: {  	_ =	shalt  }
0x6c: {  	_ =	shalt  }
0x6d: {  	_ =	shalt  }
0x6e: {  	_ =	shalt  }
0x6f: {  	_ =	shalt  }
0x70: {  	_ =	shalt  }
0x71: {  	_ =	shalt  }
0x72: {  	_ =	shalt  }
0x73: {  	_ =	shalt  }
0x74: {  	_ =	shalt  }
0x75: {  	_ =	shalt  }
0x76: {  	_ =	shalt  }
0x77: {  	_ =	shalt  }
0x78: {  	_ =	shalt  }
0x79: {  	_ =	shalt  }
0x7a: {  	_ =	shalt  }
0x7b: {  	_ =	shalt  }
0x7c: {  	_ =	shalt  }
0x7d: {  	_ =	shalt  }
0x7e: {  	_ =	shalt  }
0x7f: {  	_ =	shalt  }
0x80: {  	_ =	shalt  }
0x81: {  	_ =	shalt  }
0x82: {  	_ =	shalt  }
0x83: {  	_ =	shalt  }
0x84: {  	_ =	shalt  }
0x85: {  	_ =	shalt  }
0x86: {  	_ =	shalt  }
0x87: {  	_ =	shalt  }
.Lfunc_end0:
.L_simem_size_0:
called_computation_lowered:
.L_overlay_start_0:
0x88: {  	s2 =	sld [smem:$0x3FD9]  }
0x89: {  	s3 =	sld [smem:$0x3FFE];
	_ =	sdelay $0x1  }
0x8a: {  	s1 =	srdreg.scid  }
0x8b: {  	s0 =	sand.u32 $0x1, s1  }
0x8c: {  	s17 =	sshll.u32 s0, $0xA;
	s2 =	sadd.s32 s3, s2  }
0x8d: {  	s2 =	sadd.s32 s2, s17  }
0x8e: {  	[smem:$0x3FC5] =	sst s2  }
0x8f: {  	_ = 	snop  }
0x90: {  	s2 =	sld [smem:$0x3FD0];
	(tm) =	ssettm $0x1  }
0x91: {  	s18 =	sld [smem:$0x3FFB];
	_ =	sdelay $0x3  }
0x92: {  	_ =	strace s18  }
0x93: {  	s3 =	sld [smem:$0x3FFC];
	_ =	sdelay $0x3  }
0x94: {  	_ =	strace s3  }
0x95: {  	s3 =	sld [smem:$0x3FFD];
	_ =	sdelay $0x3  }
0x96: {  	_ =	strace s3  }
0x97: {  	_ =	strace $0x8FFFFFFF  }
0x98: {  	s19 =	sld [smem:$0x3FDB];
	_ =	sdelay $0x1  }
0x99: {  	s4 =	simm.s32 $_scs_section_size  }
0x9a: {  	s5 =	simm.s32 $_size__tile_overlayer_lowered;
	s6 =	simm.s32 $_tile_overlayer_lowered  }
0x9b: {  	s22 =	simm.s32 $0x1BFF;
	s21 =	sshll.u32 s6, $0x1;
	s3 =	sadd.s32 s4, s19  }
0x9c: {  	s7 =	simm.s32 $0x0;
	s20 =	sshll.u32 s5, $0x1;
	s5 =	sadd.s32 s21, s3  }
0x9d: {  	[timem:s7], [sflag:s22] =	dma.local [hbm:s5], s20  }
0x9e: {  	_ =	swait.ge [sflag:s22], s20  }
0x9f: {  	s4 =	ssub.s32 $0x0, s20;
	[sflag:s22] =	ssyncset.done $0x0  }
0xa0: {  	[sflag:s22] =	ssyncadd.s32 s4;
	_ =	sdelay $0x1  }
0xa1: {  	s23 =	simm.s32 $0x1B8B  }
0xa2: {  	_ =	swait.ge [sflag:s23], $0x1  }
0xa3: {  	[sflag:s23] =	ssyncset.done $0x0  }
0xa4: {  	s25 =	simm.s32 $0x1B8E;
	s24 =	sld [smem:$0x3FFE];
	[sflag:s23] =	ssyncadd.s32 $0xFFFFFFFF  }
0xa5: {  	s26 =	simm.s32 $execute0_lowered;
	[smem:$0x3FD2] =	sst s25  }
0xa6: {  	s5 =	sshll.u32 s26, $0x1;
	_ =	strace $0x80000046;
	[dreg:$0x1] =	wrdreg $0xFFFFFFFF  }
0xa7: {  	s28 =	simm.s32 $_size_execute0_lowered;
	s3 =	sadd.s32 s3, s5;
	[dreg:$0x0] =	wrdreg $0x0  }
0xa8: {  	s5 =	sshll.u32 s28, $0x1;
	[dreg:$0x2] =	wrdreg s3  }
0xa9: {  	[dreg:$0x3] =	wrdreg s5  }
0xaa: {  	[dreg:$0x4] =	wrdreg $0xC0  }
0xab: {  	_ =	task [dreg:s7], $0x5FFFF  }
0xac: {  	[dreg:$0x1] =	wrdreg $0xFFFFFFFF  }
0xad: {  	[dreg:$0x0] =	wrdreg $0x60  }
0xae: {  	[dreg:$0x2] =	wrdreg s2  }
0xaf: {  	[dreg:$0x3] =	wrdreg s24  }
0xb0: {  	[dreg:$0x4] =	wrdreg $0x9  }
0xb1: {  	_ =	task.clear_ibuf [dreg:s7], $0x5FFFF;
	_ =	strace $0x90000046  }
0xb2: {  	s29 =	simm.s32 $0x9;
	_ =	strace $0x80000048  }
0xb3: {  	_ =	swait.ge [sflag:s29], $0x1  }
0xb4: {  	[sflag:s29] =	ssyncadd.s32 $0xFFFFFFFF  }
0xb5: {  	_ =	strace $0x90000048  }
0xb6: {  	_ =	sfence  }
0xb7: {  	s30 =	sld [smem:$0x0];
	_ =	sdelay $0x2  }
0xb8: {  	s31 =	sshll.u32 s1, $0xD;
	s1 =	sshrl.u32 s1, $0x2  }
0xb9: {  	s3 =	sand.u32 $0x4000, s31;
	s1 =	sadd.s32 s1, s30  }
0xba: {  	s0 =	sor.u32 s3, s0;
	s1 =	sshll.u32 s1, $0x11  }
0xbb: {  	s0 =	sor.u32 s1, s0  }
0xbc: {  	s0 =	sadd.s32 $0x8F2B, s0  }
0xbd: {  	[sflag:s0] =	ssyncadd.remote.s32 $0x1  }
0xbe: {  	_ =	sfence.sel $0xFFFF  }
0xbf: {  	[dreg:$0x0] =	wrdreg $0xFFFFFFFF;
	(pc) =	sbr.abs _section_cstart, $3  }
0xc0: {  	[dreg:$0x1] =	wrdreg $0xFFFFFFFF  }
0xc1: {  	_ =	task.clear_ibuf [dreg:s7], $0x2FFFF;
	_ =	strace $0x9FFFFFFF  }
0xc2: {  	(tm) =	ssettm $0x7FFFFFFF  }
0xc3: {  	_ =	shalt  }
tec
execute0_lowered:
.L_overlay_start_1:
0x0: {  	(tag) =	ssettag $0x1  }
0x1: {  	s1 =	rddreg [dreg:$0x0]  }
0x2: {  	s0 =	rddreg [dreg:$0x1];
	s3 =	simm.s32 $0x0;
	s2 =	srdreg.scid  }
0x3: {  	s7 =	stileid.u32;
	s17 =	simm.s32 $0x7;
	s28 =	simm.s32 $0x8100  }
0x4: {  	s29 =	simm.s32 $0x4100;
	s30 =	simm.s32 $0xC100;
	s31 =	simm.s32 $0x1  }
0x5: {  	s15 =	simm.s32 $0x0;
	[smem:$0x7FF] =	sst s3;
	s2 =	sand.u32 $0x1, s2  }
0x6: {  	s4 =	sshll.u32 s7, $0x1;
	s7 =	sshll.u32 s7, $0x10;
	s8 =	sadd.s32 $0x100D00, s0  }
0x7: {  	_ =	strace $0x80000047;
	s6 =	sor.u32 s2, s4;
	s4 =	sadd.s32 $0xA00, s0  }
0x8: {  	s10 =	sadd.s32 s7, s0;
	s11 =	ssub.s32 $0x2, s2;
	s7 =	sadd.s32 $0x100C00, s0  }
0x9: {  	s2 =	sshll.u32 s2, $0xF;
	s5 =	sshll.u32 s6, $0x4;
	s12 =	sshll.u32 s6, $0xF  }
0xa: {  	s6 =	sadd.s32 $0x100B00, s0;
	s13 =	sshrl.u32 s11, $0x1;
	s2 =	sadd.s32 s2, s10  }
0xb: {  	v0 =	vimm.s32 $0x76543210;
	s10 =	simm.s32 $0x2;
	s9 =	sadd.s32 s5, s0;
	s5 =	sadd.s32 $0x100A00, s0  }
0xc: {  	v1 =	vimm.s32 $0x43424140;
	v2 =	vimm.s32 $0x47464544;
	v0 =	vunpack.c.l.s4.s8 v0;
	s20 =	ssub.s32 s11, s13;
	s21 =	sor.u32 $0x800, s12;
	s22 =	sadd.s32 s1, s12  }
0xd: {  	v1 =	vunpack.c.0.s8.s32 v1;
	v2 =	vunpack.c.0.s8.s32 v2;
	s23 =	sadd.s32 s4, s12;
	s25 =	sor.u32 $0x1000, s12;
	s14 =	sor.u32 $0x1800, s12  }
0xe: {  	vm0 =	vcmask $0x1F10;
	v0 =	vunpack.c.0.s8.s32 v0;
	s26 =	sadd.s32 $0x101200, s2;
	s2 =	simm.s32 $0x5;
	[dreg:$0x5] =	wrdreg s22  }
0xf: {  	v4 =	vimm.s32 $0x2;
	v1 =	vsel vm0, v2, v1;
	s11 =	simm.s32 $0x4;
	s12 =	simm.s32 $0x6;
	[dreg:$0x6] =	wrdreg s23  }
0x10: {  	v5 =	vimm.s32 $0x3;
	s13 =	simm.s32 $0x14100;
	s9 =	sadd.s32 $0x800, s9;
	[dreg:$0x3] =	wrdreg s25;
	v0 =	vcombine.low v0, v1;
	v1 =	vlaneseq.u32  }
0x11: {  	v6 =	vimm.s32 $0x4;
	s24 =	sadd.s32 s1, s21;
	s0 =	smax.u32 s20, $0x1;
	[dreg:$0xa] =	wrdreg s26;
	v2 =	vand.u32 $0x7, v1;
	v3 =	vshrl.u32 v1, $0x3  }
0x12: {  	s22 =	simm.s32 $0x1A100;
	s23 =	simm.s32 $0x1A900;
	[dreg:$0x4] =	wrdreg s9;
	v1 =	vor.u32 $0x8, v1;
	v2 =	vperm.xlane v0, v2;
	v3 =	vmul.u32 $0x8, v3  }
0x13: {  	v7 =	vimm.s32 $0x5;
	v8 =	vimm.s32 $0x6;
	s25 =	simm.s32 $0x1B900;
	s26 =	simm.s32 $0x100;
	[dreg:$0x7] =	wrdreg s24;
	v1 =	vperm.xlane v0, v1  }
0x14: {  	v9 =	vimm.s32 $0x7;
	vm0 =	vmmov $0xffff;
	s9 =	sadd.s32 s4, s21;
	[dreg:$0x9] =	wrdreg s0;
	s24 =	simm.s32 $0x1B100;
	v0 =	vadd.s32 v3, v2  }
0x15: {  	s0 =	simm.s32 $0x3;
	[dreg:$0x8] =	wrdreg s9;
	s9 =	simm.s32 $0x10100;
	v1 =	vadd.s32 v3, v1;
	v2 =	vimm.s32 $0x0;
	v3 =	vimm.s32 $0x1  }
.LBB2_1:
0x16: {  	s16 =	rddreg [dreg:$0x4]  }
0x17: {  	[tilespmem:s3], [sflag:$0x7] =	stream.linear.gather [hbm4b:s16+s3], $0x80, $0x38;
	[tilespmem:$0x1C100] =	vst v63  }
0x18: {  	_ =	swait.ge [sflag:s17], $0x80  }
0x19: {  	[sflag:s17] =	ssyncset.done $0x0  }
0x1a: {  	s21 =	simm.s32 $0x18100;
	[sflag:s17] =	ssyncadd.s32 $0xFFFFFF80  }
0x1b: {  	[hbm4b:s5+s3] =	stream.indirect_vreg.scatter [tilespmem:s21], [sflag:$0x5], $0x80, v0, vm0, $0xb8;
	[tilespmem:$0x1C100] =	vst v63  }
0x1c: {  	s18 =	simm.s32 $0x18900  }
0x1d: {  	[hbm4b:s6+s3] =	stream.indirect_vreg.scatter [tilespmem:s18], [sflag:$0x5], $0x80, v0, vm0, $0xb8;
	[tilespmem:$0x1C100] =	vst v63  }
0x1e: {  	s19 =	simm.s32 $0x19100  }
0x1f: {  	[hbm4b:s7+s3] =	stream.indirect_vreg.scatter [tilespmem:s19], [sflag:$0x5], $0x80, v0, vm0, $0xb8;
	[tilespmem:$0x1C100] =	vst v63  }
0x20: {  	s20 =	simm.s32 $0x19900  }
0x21: {  	[hbm4b:s8+s3] =	stream.indirect_vreg.scatter [tilespmem:s20], [sflag:$0x5], $0x80, v0, vm0, $0xb8;
	[tilespmem:$0x1C100] =	vst v63  }
0x22: {  	_ = 	snop  }
0x23: {  	[hbm4b:s5+s3] =	stream.indirect_vreg.scatter [tilespmem:s22], [sflag:$0x5], $0x80, v1, vm0, $0xb8;
	[tilespmem:$0x1C100] =	vst v63  }
0x24: {  	_ = 	snop  }
0x25: {  	[hbm4b:s6+s3] =	stream.indirect_vreg.scatter [tilespmem:s23], [sflag:$0x5], $0x80, v1, vm0, $0xb8;
	[tilespmem:$0x1C100] =	vst v63  }
0x26: {  	_ = 	snop  }
0x27: {  	[hbm4b:s7+s3] =	stream.indirect_vreg.scatter [tilespmem:s24], [sflag:$0x5], $0x80, v1, vm0, $0xb8;
	[tilespmem:$0x1C100] =	vst v63  }
0x28: {  	_ = 	snop  }
0x29: {  	[hbm4b:s8+s3] =	stream.indirect_vreg.scatter [tilespmem:s25], [sflag:$0x5], $0x80, v1, vm0, $0xb8;
	[tilespmem:$0x1C100] =	vst v63  }
0x2a: {  	_ = 	snop  }
0x2b: {  	[hbm4b:s5+s3] =	stream.indirect_vreg.scatter [tilespmem:s21], [sflag:$0x6], $0x80, v0, vm0, $0xb8;
	[tilespmem:$0x1C100] =	vst v63  }
0x2c: {  	_ = 	snop  }
0x2d: {  	[hbm4b:s6+s3] =	stream.indirect_vreg.scatter [tilespmem:s18], [sflag:$0x6], $0x80, v0, vm0, $0xb8;
	[tilespmem:$0x1C100] =	vst v63  }
0x2e: {  	_ = 	snop  }
0x2f: {  	[hbm4b:s7+s3] =	stream.indirect_vreg.scatter [tilespmem:s19], [sflag:$0x6], $0x80, v0, vm0, $0xb8;
	[tilespmem:$0x1C100] =	vst v63  }
0x30: {  	_ = 	snop  }
0x31: {  	[hbm4b:s8+s3] =	stream.indirect_vreg.scatter [tilespmem:s20], [sflag:$0x6], $0x80, v0, vm0, $0xb8;
	[tilespmem:$0x1C100] =	vst v63  }
0x32: {  	_ = 	snop  }
0x33: {  	[hbm4b:s5+s3] =	stream.indirect_vreg.scatter [tilespmem:s22], [sflag:$0x6], $0x80, v1, vm0, $0xb8;
	[tilespmem:$0x1C100] =	vst v63  }
0x34: {  	_ = 	snop  }
0x35: {  	[hbm4b:s6+s3] =	stream.indirect_vreg.scatter [tilespmem:s23], [sflag:$0x6], $0x80, v1, vm0, $0xb8;
	[tilespmem:$0x1C100] =	vst v63  }
0x36: {  	_ = 	snop  }
0x37: {  	[hbm4b:s7+s3] =	stream.indirect_vreg.scatter [tilespmem:s24], [sflag:$0x6], $0x80, v1, vm0, $0xb8;
	[tilespmem:$0x1C100] =	vst v63  }
0x38: {  	s16 =	rddreg [dreg:$0xa]  }
0x39: {  	[hbm4b:s8+s3] =	stream.indirect_vreg.scatter [tilespmem:s25], [sflag:$0x6], $0x80, v1, vm0, $0xb8;
	[tilespmem:$0x1C100] =	vst v63  }
0x3a: {  	s18 =	rddreg [dreg:$0x5]  }
0x3b: {  	[tilespmem:s26], [sflag:$0x1] =	stream.linear.gather [hbm4b:s18+s3], $0x4000, $0x38;
	[tilespmem:$0x1C100] =	vst v63  }
0x3c: {  	s19 =	rddreg [dreg:$0x6]  }
0x3d: {  	[tilespmem:s28], [sflag:$0x3] =	stream.linear.gather [hbm4b:s19+s3], $0x4000, $0x38;
	[tilespmem:$0x1C100] =	vst v63  }
0x3e: {  	s20 =	rddreg [dreg:$0x7]  }
0x3f: {  	[tilespmem:s29], [sflag:$0x2] =	stream.linear.gather [hbm4b:s20+s3], $0x4000, $0x38;
	[tilespmem:$0x1C100] =	vst v63  }
0x40: {  	s21 =	rddreg [dreg:$0x8];
	s18 =	simm.s32 $0x8;
	s20 =	simm.s32 $0x0  }
0x41: {  	[tilespmem:s30], [sflag:$0x4] =	stream.linear.gather [hbm4b:s21+s3], $0x4000, $0x38;
	[tilespmem:$0x1C100] =	vst v63  }
.LBB2_2:
0x42: {  	_ =	swait.ge [sflag:s31], $0x4000  }
0x43: {  	[sflag:s31] =	ssyncset.done $0x0  }
0x44: {  	[sflag:s31] =	ssyncadd.s32 $0xFFFFC000  }
0x45: {  	_ =	swait.ge [sflag:s0], $0x4000  }
0x46: {  	[sflag:s0] =	ssyncset.done $0x0  }
0x47: {  	[sflag:s0] =	ssyncadd.s32 $0xFFFFC000  }
0x48: {  	_ =	swait.ge [sflag:s2], $0x4000  }
0x49: {  	[sflag:s2] =	ssyncset.done $0x0  }
0x4a: {  	[sflag:s2] =	ssyncadd.s32 $0xFFFFC000  }
0x4b: {  	v10 =	vld [tilespmem:s18+$0xFFFFFFF8]  }
0x4c: {  	v11 =	vld [tilespmem:$0x100]  }
0x4d: {  	v12 =	vld [tilespmem:$0x8100]  }
0x4e: {  	v13 =	vld [tilespmem:$0x180]  }
0x4f: {  	v14 =	vld [tilespmem:$0x8180]  }
0x50: {  	v15 =	vld [tilespmem:$0x200]  }
0x51: {  	v16 =	vld [tilespmem:$0x8200]  }
0x52: {  	v17 =	vld [tilespmem:$0x280]  }
0x53: {  	v18 =	vld [tilespmem:$0x8280]  }
0x54: {  	v19 =	vld [tilespmem:$0x300]  }
0x55: {  	v20 =	vld [tilespmem:$0x8300]  }
0x56: {  	v21 =	vld [tilespmem:$0x380]  }
0x57: {  	v22 =	vld [tilespmem:$0x8380]  }
0x58: {  	v23 =	vld [tilespmem:$0x400]  }
0x59: {  	v24 =	vld [tilespmem:$0x8400]  }
0x5a: {  	v25 =	vld [tilespmem:$0x480]  }
0x5b: {  	v26 =	vld [tilespmem:$0x8480]  }
0x5c: {  	v27 =	vld [tilespmem:$0x2100]  }
0x5d: {  	v29 =	vld [tilespmem:$0xA100];
	v28 =	vperm.xlane v10, v2  }
0x5e: {  	v30 =	vld [tilespmem:$0x2180]  }
0x5f: {  	v32 =	vld [tilespmem:$0xA180];
	v31 =	vperm.xlane v10, v3;
	v12 =	vmul.f32 v12, v28  }
0x60: {  	v41 =	vld [tilespmem:$0x2200];
	v14 =	vmul.f32 v14, v28  }
0x61: {  	v43 =	vld [tilespmem:$0xA200];
	v33 =	vperm.xlane v10, v4;
	v44 =	vmul.f32 v18, v31;
	v11 =	vadd.f32 v12, v11  }
0x62: {  	v45 =	vld [tilespmem:$0x2280];
	v42 =	vmul.f32 v16, v31;
	v13 =	vadd.f32 v14, v13  }
0x63: {  	v48 =	vld [tilespmem:$0xA280];
	v46 =	vperm.xlane v10, v5;
	v50 =	vmul.f32 v22, v33;
	v49 =	vadd.f32 v44, v17;
	[tilespmem:$0x10100] =	vst v11  }
0x64: {  	v54 =	vld [tilespmem:$0xA300];
	v52 =	vperm.xlane v10, v6;
	v47 =	vmul.f32 v20, v33;
	v11 =	vadd.f32 v42, v15;
	[tilespmem:$0x10180] =	vst v13  }
0x65: {  	v63 =	vld [tilespmem:$0xA400];
	v56 =	vmul.f32 v26, v46;
	v55 =	vadd.f32 v50, v21;
	[tilespmem:$0x10280] =	vst v49  }
0x66: {  	v53 =	vmul.f32 v24, v46;
	v62 =	vmul.f32 v32, v52;
	v32 =	vld [tilespmem:$0xA480];
	[tilespmem:$0x10200] =	vst v11;
	v11 =	vadd.f32 v47, v19  }
0x67: {  	v60 =	vld [tilespmem:$0xA380];
	v58 =	vperm.xlane v10, v7;
	v61 =	vadd.f32 v56, v25;
	[tilespmem:$0x10380] =	vst v55  }
0x68: {  	v37 =	vld [tilespmem:$0x2480];
	v59 =	vmul.f32 v29, v52;
	v29 =	vperm.xlane v10, v8;
	[tilespmem:$0x10300] =	vst v11;
	v11 =	vadd.f32 v53, v23  }
0x69: {  	v51 =	vld [tilespmem:$0x2300];
	v34 =	vmul.f32 v48, v58;
	v10 =	vperm.xlane v10, v9;
	v33 =	vadd.f32 v62, v30;
	[tilespmem:$0x10480] =	vst v61  }
0x6a: {  	v57 =	vld [tilespmem:$0x2380];
	v31 =	vmul.f32 v43, v58;
	[tilespmem:$0x10400] =	vst v11;
	v11 =	vadd.f32 v59, v27  }
0x6b: {  	v35 =	vld [tilespmem:$0x2400];
	v38 =	vadd.f32 v34, v45;
	v40 =	vmul.f32 v63, v10;
	[tilespmem:$0x12180] =	vst v33;
	v10 =	vmul.f32 v32, v10  }
0x6c: {  	v36 =	vmul.f32 v54, v29;
	[tilespmem:$0x12100] =	vst v11;
	v11 =	vadd.f32 v31, v41  }
0x6d: {  	v39 =	vmul.f32 v60, v29;
	[tilespmem:$0x12280] =	vst v38;
	v10 =	vadd.f32 v10, v37  }
0x6e: {  	[tilespmem:$0x12200] =	vst v11;
	v11 =	vadd.f32 v36, v51  }
0x6f: {  	[tilespmem:$0x12480] =	vst v10;
	v41 =	vadd.f32 v39, v57  }
0x70: {  	s21 =	smin.u32 s20, $0xD;
	[tilespmem:$0x12300] =	vst v11;
	v11 =	vadd.f32 v40, v35  }
0x71: {  	s21 =	sshll.u32 s21, $0xB;
	s19 =	rddreg [dreg:$0x3];
	[tilespmem:$0x12380] =	vst v41  }
0x72: {  	s19 =	sadd.s32 s21, s19;
	[tilespmem:$0x12400] =	vst v11  }
0x73: {  	[hbm4b:s16+s3] =	stream.linear.scatter [tilespmem:s9], [sflag:$0x5], $0x4000, $0x38;
	[tilespmem:$0x1C100] =	vst v63  }
0x74: {  	s21 =	sadd.s32 s1, s19  }
0x75: {  	[tilespmem:s26], [sflag:$0x1] =	stream.linear.gather [hbm4b:s21+s3], $0x4000, $0x38;
	[tilespmem:$0x1C100] =	vst v63  }
0x76: {  	s19 =	sadd.s32 s4, s19  }
0x77: {  	[tilespmem:s28], [sflag:$0x3] =	stream.linear.gather [hbm4b:s19+s3], $0x4000, $0x38;
	[tilespmem:$0x1C100] =	vst v63  }
0x78: {  	_ =	swait.ge [sflag:s10], $0x4000  }
0x79: {  	[sflag:s10] =	ssyncset.done $0x0  }
0x7a: {  	[sflag:s10] =	ssyncadd.s32 $0xFFFFC000  }
0x7b: {  	_ =	swait.ge [sflag:s11], $0x4000  }
0x7c: {  	[sflag:s11] =	ssyncset.done $0x0  }
0x7d: {  	[sflag:s11] =	ssyncadd.s32 $0xFFFFC000  }
0x7e: {  	_ =	swait.ge [sflag:s12], $0x4000  }
0x7f: {  	[sflag:s12] =	ssyncset.done $0x0  }
0x80: {  	[sflag:s12] =	ssyncadd.s32 $0xFFFFC000  }
0x81: {  	v10 =	vld [tilespmem:s18+$0x0]  }
0x82: {  	v11 =	vld [tilespmem:$0x4100]  }
0x83: {  	v42 =	vld [tilespmem:$0xC100]  }
0x84: {  	v43 =	vld [tilespmem:$0x4180]  }
0x85: {  	v44 =	vld [tilespmem:$0xC180]  }
0x86: {  	v45 =	vld [tilespmem:$0x4200]  }
0x87: {  	v46 =	vld [tilespmem:$0xC200]  }
0x88: {  	v47 =	vld [tilespmem:$0x4280]  }
0x89: {  	v48 =	vld [tilespmem:$0xC280]  }
0x8a: {  	v49 =	vld [tilespmem:$0x4300]  }
0x8b: {  	v50 =	vld [tilespmem:$0xC300]  }
0x8c: {  	v51 =	vld [tilespmem:$0x4380]  }
0x8d: {  	v52 =	vld [tilespmem:$0xC380]  }
0x8e: {  	v53 =	vld [tilespmem:$0x4400]  }
0x8f: {  	v54 =	vld [tilespmem:$0xC400]  }
0x90: {  	v55 =	vld [tilespmem:$0x4480]  }
0x91: {  	v56 =	vld [tilespmem:$0xC480]  }
0x92: {  	v57 =	vld [tilespmem:$0x6100]  }
0x93: {  	v59 =	vld [tilespmem:$0xE100];
	v58 =	vperm.xlane v10, v2  }
0x94: {  	v60 =	vld [tilespmem:$0x6180]  }
0x95: {  	v62 =	vld [tilespmem:$0xE180];
	v61 =	vperm.xlane v10, v3;
	v12 =	vmul.f32 v42, v58  }
0x96: {  	v63 =	vld [tilespmem:$0x6200];
	v36 =	vperm.xlane v10, v4;
	v14 =	vmul.f32 v44, v58  }
0x97: {  	v38 =	vld [tilespmem:$0xE200];
	v37 =	vmul.f32 v46, v61;
	v11 =	vadd.f32 v12, v11  }
0x98: {  	v40 =	vld [tilespmem:$0x6280];
	v39 =	vmul.f32 v48, v61;
	v41 =	vmul.f32 v50, v36;
	v13 =	vadd.f32 v14, v43  }
0x99: {  	v42 =	vld [tilespmem:$0xE280];
	v44 =	vmul.f32 v52, v36;
	v46 =	vperm.xlane v10, v6;
	v12 =	vadd.f32 v37, v45;
	[tilespmem:$0x14100] =	vst v11  }
0x9a: {  	v48 =	vld [tilespmem:$0xE300];
	v43 =	vadd.f32 v39, v47;
	v15 =	vadd.f32 v41, v49;
	v11 =	vperm.xlane v10, v5;
	[tilespmem:$0x14180] =	vst v13  }
0x9b: {  	v58 =	vld [tilespmem:$0x6400];
	v49 =	vadd.f32 v44, v51;
	v51 =	vperm.xlane v10, v7;
	v52 =	vmul.f32 v59, v46;
	[tilespmem:$0x14200] =	vst v12  }
0x9c: {  	v45 =	vld [tilespmem:$0x6300];
	[tilespmem:$0x14280] =	vst v43;
	v47 =	vmul.f32 v54, v11;
	v11 =	vmul.f32 v56, v11  }
0x9d: {  	[tilespmem:$0x14300] =	vst v15;
	v21 =	vadd.f32 v52, v57;
	v16 =	vmul.f32 v38, v51;
	v54 =	vld [tilespmem:$0xE400]  }
0x9e: {  	[tilespmem:$0x14380] =	vst v49;
	v12 =	vmul.f32 v62, v46;
	v19 =	vadd.f32 v47, v53;
	v53 =	vld [tilespmem:$0xE380];
	v11 =	vadd.f32 v11, v55  }
0x9f: {  	v56 =	vld [tilespmem:$0xE480];
	[tilespmem:$0x16100] =	vst v21;
	v16 =	vadd.f32 v16, v63;
	v55 =	vperm.xlane v10, v8  }
0xa0: {  	v50 =	vld [tilespmem:$0x6380];
	v57 =	vmul.f32 v42, v51;
	v10 =	vperm.xlane v10, v9;
	[tilespmem:$0x14480] =	vst v11;
	v11 =	vadd.f32 v12, v60  }
0xa1: {  	[tilespmem:$0x16200] =	vst v16;
	v59 =	vmul.f32 v48, v55;
	v60 =	vld [tilespmem:$0x6480]  }
0xa2: {  	v13 =	vmul.f32 v54, v10;
	[tilespmem:$0x16180] =	vst v11;
	v11 =	vadd.f32 v57, v40  }
0xa3: {  	[tilespmem:$0x14400] =	vst v19;
	v62 =	vadd.f32 v59, v45;
	v61 =	vmul.f32 v53, v55  }
0xa4: {  	v10 =	vmul.f32 v56, v10;
	v63 =	vadd.f32 v13, v58;
	[tilespmem:$0x16280] =	vst v11  }
0xa5: {  	[tilespmem:$0x16300] =	vst v62;
	v11 =	vadd.f32 v61, v50  }
0xa6: {  	v10 =	vadd.f32 v10, v60;
	[tilespmem:$0x16400] =	vst v63  }
0xa7: {  	[tilespmem:$0x16380] =	vst v11  }
0xa8: {  	s21 =	sadd.s32 $0x800, s16;
	[tilespmem:$0x16480] =	vst v10  }
0xa9: {  	[hbm4b:s21+s3] =	stream.linear.scatter [tilespmem:s13], [sflag:$0x6], $0x4000, $0x38;
	[tilespmem:$0x1C100] =	vst v63  }
0xaa: {  	s21 =	smin.u32 s20, $0xC  }
0xab: {  	p0 =	sne.s32 s20, $0xE;
	s19 =	sshll.u32 s21, $0xB  }
.Ltmp0:
0xac: {  	s19 =	sadd.s32 s19, s14;
	(pc) =	sbr.rel @p0 .LBB2_2-.Ltmp0, $4  }
0xad: {  	s16 =	sadd.s32 $0x1000, s16;
	s21 =	sadd.s32 s1, s19  }
0xae: {  	[tilespmem:s29], [sflag:$0x2] =	stream.linear.gather [hbm4b:s21+s3], $0x4000, $0x38;
	[tilespmem:$0x1C100] =	vst v63  }
0xaf: {  	s18 =	sadd.s32 $0x10, s18;
	s20 =	sadd.s32 $0x2, s20;
	s19 =	sadd.s32 s4, s19  }
0xb0: {  	[tilespmem:s30], [sflag:$0x4] =	stream.linear.gather [hbm4b:s19+s3], $0x4000, $0x38;
	[tilespmem:$0x1C100] =	vst v63  }
0xb1: {  	_ =	swait.ge [sflag:s31], $0x4000  }
0xb2: {  	[sflag:s31] =	ssyncset.done $0x0  }
0xb3: {  	[sflag:s31] =	ssyncadd.s32 $0xFFFFC000  }
0xb4: {  	_ =	swait.ge [sflag:s0], $0x4000  }
0xb5: {  	[sflag:s0] =	ssyncset.done $0x0  }
0xb6: {  	[sflag:s0] =	ssyncadd.s32 $0xFFFFC000  }
0xb7: {  	_ =	swait.ge [sflag:s2], $0x4000  }
0xb8: {  	[sflag:s2] =	ssyncset.done $0x0  }
0xb9: {  	[sflag:s2] =	ssyncadd.s32 $0xFFFFC000  }
0xba: {  	_ =	swait.ge [sflag:s10], $0x4000  }
0xbb: {  	[sflag:s10] =	ssyncset.done $0x0  }
0xbc: {  	[sflag:s10] =	ssyncadd.s32 $0xFFFFC000  }
0xbd: {  	_ =	swait.ge [sflag:s11], $0x4000  }
0xbe: {  	[sflag:s11] =	ssyncset.done $0x0  }
0xbf: {  	[sflag:s11] =	ssyncadd.s32 $0xFFFFC000  }
0xc0: {  	_ =	swait.ge [sflag:s12], $0x4000  }
0xc1: {  	s15 =	sadd.s32 $0x1, s15;
	s16 =	rddreg [dreg:$0x9]  }
0xc2: {  	p0 =	sne.s32 s15, s16  }
.Ltmp1:
0xc3: {  	_ = 	snop;
	(pc) =	sbr.rel @p0 .LBB2_1-.Ltmp1, $3  }
0xc4: {  	_ =	sdelay $0x1  }
0xc5: {  	[sflag:s12] =	ssyncset.done $0x0  }
0xc6: {  	[sflag:s12] =	ssyncadd.s32 $0xFFFFC000  }
0xc7: {  	_ =	sfence.sel $0x180000  }
0xc8: {  	[bflag:$0x0] =	sbarrier.arrive $0xFFFF  }
0xc9: {  	_ =	strace $0x90000047  }
0xca: {  	s0 =	stileid.u32;
	[bflag:$0x2] =	sbarrier.arrive $0xFFFF  }
0xcb: {  	p0 =	sne.s32 s0, $0x0;
	s0 =	rddreg [dreg:$0x2]  }
0xcc: {  	s0 =	sadd.s32 @!p0 $0x100000, s0  }
0xcd: {  	[sflag:s0] =	ssyncadd.tile.s32 @!p0 $0x1;
	_ =	shalt  }
.Lfunc_end2:
_tile_overlayer_lowered:
.L_overlay_start_2:
0xce: {  	(tag) =	ssettag $0x2  }
0xcf: {  	s0 =	rddreg [dreg:$0x0];
	s2 =	stileid.u32  }
0xd0: {  	s1 =	rddreg [dreg:$0x1];
	p0 =	sne.s32 s2, $0x0  }
0xd1: {  	s3 =	rddreg [dreg:$0x2];
	[bflag:$0x3] =	sbarrier.arrive $0xFFFF;
	s2 =	simm.s32 @!p0 $0x1C07  }
0xd2: {  	[timem:s3], [sflag:s2] =	dma.local @!p0 [hbm:s0], s1  }
0xd3: {  	s0 =	simm.s32 @!p0 $0x7  }
0xd4: {  	_ =	swait.ge @!p0 [sflag:s0], s1  }
0xd5: {  	s1 =	ssub.s32 @!p0 $0x0, s1;
	[sflag:s0] =	ssyncset.done @!p0 $0x0  }
0xd6: {  	[sflag:s0] =	ssyncadd.s32 @!p0 s1  }
0xd7: {  	[bflag:$0x3] =	sbarrier.arrive $0xFFFF  }
0xd8: {  	_ =	shalt  }

</sc_bundles>
